<compile_context>
chip_gen: v7x
topology: tpu7x:2x2x1
jax: 0.10.2.dev20260603
libtpu: 0.0.44.dev20260713+nightly
codegen_flags: <defaults>
</compile_context>

<pallas_src>
import functools

import jax
import jax.numpy as jnp
import numpy as np
from jax import lax
from jax.experimental import pallas as pl
from jax.experimental.pallas import tpu as pltpu
from jax.experimental.pallas import tpu_sc as plsc

NUM_EMB = 105220
D = 256
G = 128
L = 50
N = 6400
H = 128

NC, NS = 2, 16
NW = NC * NS
CHUNKS = (128, 72)
LANES = 16


def _sc_gather(table, idx, d, clamp_max=None):
    n_rows = idx.shape[0]
    rpw = n_rows // NW
    assert rpw == sum(CHUNKS)
    n_vecs = -(-rpw // LANES)
    pad = n_vecs * LANES
    mesh = plsc.VectorSubcoreMesh(core_axis_name="c", subcore_axis_name="s")

    @functools.partial(
        pl.kernel,
        out_type=jax.ShapeDtypeStruct((n_rows, d), jnp.float32),
        mesh=mesh,
        scratch_types=[
            pltpu.VMEM((pad,), jnp.int32),
            pltpu.VMEM((rpw, d), jnp.float32),
            pltpu.SemaphoreType.DMA,
            pltpu.SemaphoreType.DMA,
        ],
    )
    def gather_kernel(idx_hbm, table_hbm, out_hbm, idx_v, rows_v, sem_g, sem_w):
        wid = lax.axis_index("s") * NC + lax.axis_index("c")
        base = wid * rpw
        pltpu.sync_copy(idx_hbm.at[pl.ds(base, rpw)], idx_v.at[pl.ds(0, rpw)])
        if clamp_max is not None:
            hi = jnp.full((LANES,), clamp_max, jnp.int32)
            lo = jnp.zeros((LANES,), jnp.int32)
            for v in range(n_vecs):
                sl = pl.ds(v * LANES, LANES)
                idx_v[sl] = jnp.minimum(jnp.maximum(idx_v[sl], lo), hi)
        off = 0
        gathers = []
        for c in CHUNKS:
            gathers.append(
                pltpu.async_copy(
                    table_hbm.at[idx_v.at[pl.ds(off, c)]],
                    rows_v.at[pl.ds(off, c)],
                    sem_g,
                )
            )
            off += c
        writes = []
        off = 0
        for g, c in zip(gathers, CHUNKS):
            g.wait()
            writes.append(
                pltpu.async_copy(
                    rows_v.at[pl.ds(off, c)],
                    out_hbm.at[pl.ds(base + off, c)],
                    sem_w,
                )
            )
            off += c
        for w in writes:
            w.wait()

    return gather_kernel(idx, table)


NSTRIPE = 4
SROWS = G * L // NSTRIPE


def _project_body(e_hbm, w1_ref, b1_ref, w2_ref, b2_ref, batch_ref, x_ref,
                  e_v, *sems):
    copies = [
        pltpu.make_async_copy(
            e_hbm.at[pl.ds(k * SROWS, SROWS)],
            e_v.at[pl.ds(k * SROWS, SROWS)],
            sems[k],
        )
        for k in range(NSTRIPE)
    ]
    for c in copies:
        c.start()

    gps = G // NSTRIPE
    row = lax.broadcasted_iota(jnp.int32, (gps, SROWS), 0)
    col = lax.broadcasted_iota(jnp.int32, (gps, SROWS), 1)
    off = col - row * L
    seg = jnp.where((off >= 0) & (off < L), 1.0 / L, 0.0)

    hms = []
    for k in range(NSTRIPE):
        copies[k].wait()
        e = e_v[pl.ds(k * SROWS, SROWS), :]
        h = jnp.dot(e, w1_ref[...], preferred_element_type=jnp.float32)
        h = h + b1_ref[...]
        h = jnp.where(h >= 0, h, 0.01 * h)
        hms.append(jnp.dot(seg, h, preferred_element_type=jnp.float32))

    hm = jnp.concatenate(hms, axis=0)
    m = jnp.dot(hm, w2_ref[...], preferred_element_type=jnp.float32)
    m = m + b2_ref[...]
    out_copies = []
    for k in range(NSTRIPE):
        sl = pl.ds(k * SROWS, SROWS)
        b_row = jnp.broadcast_to(batch_ref[:, sl], (G, SROWS))
        g_col = lax.broadcasted_iota(jnp.int32, (G, SROWS), 0)
        oh_t = jnp.where(b_row == g_col, 1.0, 0.0)
        e_v[sl, :] = lax.dot_general(
            oh_t, m, (((0,), (0,)), ((), ())),
            preferred_element_type=jnp.float32)
        cp = pltpu.make_async_copy(e_v.at[sl], x_ref.at[sl], sems[k])
        cp.start()
        out_copies.append(cp)
    for cp in out_copies:
        cp.wait()


def _project(e, W1, b1, W2, b2, batch):
    return pl.pallas_call(
        _project_body,
        in_specs=[
            pl.BlockSpec(memory_space=pl.ANY),
            pl.BlockSpec(memory_space=pltpu.MemorySpace.VMEM),
            pl.BlockSpec(memory_space=pltpu.MemorySpace.VMEM),
            pl.BlockSpec(memory_space=pltpu.MemorySpace.VMEM),
            pl.BlockSpec(memory_space=pltpu.MemorySpace.VMEM),
            pl.BlockSpec(memory_space=pltpu.MemorySpace.VMEM),
        ],
        out_specs=pl.BlockSpec(memory_space=pl.ANY),
        out_shape=jax.ShapeDtypeStruct((N, D), jnp.float32),
        scratch_shapes=(
            [pltpu.VMEM((G * L, D), jnp.float32)]
            + [pltpu.SemaphoreType.DMA] * NSTRIPE
        ),
    )(e, W1, b1.reshape(1, H), W2, b2.reshape(1, D), batch.reshape(1, N))


def kernel(original_ids, batch, emb_table, W1, b1, W2, b2):
    ids = original_ids.astype(jnp.int32).reshape(-1)
    e = _sc_gather(emb_table, ids, D, clamp_max=NUM_EMB - 1)
    return _project(e, W1, b1, W2, b2, batch.astype(jnp.int32))

# --- scband reference (transcript-rebuilt; emitter-appended) ---
"""Pipeline reference for scband-gene-classifier-36455682408704 (READ-ONLY COPY).

The authoritative reference and input builder live on the scoring server;
editing this copy changes nothing except your own understanding.
"""

import jax, jax.numpy as jnp
import numpy as np

NUM_EMB = 105220
D = 256
G = 128      # num graphs in batch
L = 50       # padded id-list length per graph
N = 6400     # total nodes across batch


def setup_inputs(seed: int = 0) -> dict:
    key = jax.random.key(seed)
    k1, k2, k3, k4, k5, k6, k7 = jax.random.split(key, 7)
    original_ids = jax.random.randint(k1, (G, L), 0, NUM_EMB, dtype=jnp.int64) if jax.config.jax_enable_x64 else jax.random.randint(k1, (G, L), 0, NUM_EMB, dtype=jnp.int32)
    batch = jnp.sort(jax.random.randint(k2, (N,), 0, G, dtype=jnp.int32))
    emb_table = jax.random.normal(k3, (NUM_EMB, D), dtype=jnp.float32)
    # embedding_projection: Linear(256->128) -> LeakyReLU -> Linear(128->256)
    W1 = jax.random.normal(k4, (D, 128), dtype=jnp.float32) * (1.0 / np.sqrt(D))
    b1 = jax.random.normal(k5, (128,), dtype=jnp.float32) * 0.01
    W2 = jax.random.normal(k6, (128, D), dtype=jnp.float32) * (1.0 / np.sqrt(128))
    b2 = jax.random.normal(k7, (D,), dtype=jnp.float32) * 0.01
    return {"original_ids": original_ids, "batch": batch, "emb_table": emb_table,
            "W1": W1, "b1": b1, "W2": W2, "b2": b2}


def reference(original_ids, batch, emb_table, W1, b1, W2, b2):
    # clamp ids into table range (mirrors torch.clamp in forward)
    ids = jnp.clip(original_ids, 0, NUM_EMB - 1)
    # embedding lookup: [G, L, D]
    emb = jnp.take(emb_table, ids, axis=0)
    # embedding_projection (Linear -> LeakyReLU -> Linear)
    h = jax.nn.leaky_relu(emb @ W1 + b1, negative_slope=0.01)
    graph_embeddings = h @ W2 + b2  # [G, L, D]
    # data.x = graph_embeddings[data.batch] -> [N, L, D]
    x = jnp.take(graph_embeddings, batch, axis=0)
    # mean over padded id dimension -> [N, D]
    x = x.mean(axis=1)
    x = jnp.nan_to_num(x, nan=0.0)
    return x

if __name__ == "__main__":
    import jax
    _d = setup_inputs()
    print(jax.jit(kernel)(*tuple(_d.values())))

</pallas_src>

<mosaic_0001>
#map = affine_map<(d0, d1) -> (0)>
#map1 = affine_map<(d0, d1) -> (0, 0)>
module attributes {stable_mosaic.version = 14 : i64} {
  func.func @gather_kernel(%arg0: i32, %arg1: i32, %arg2: memref<6400xi32, #tpu.memory_space<hbm>>, %arg3: memref<105220x256xf32, #tpu.memory_space<hbm>>, %arg4: memref<6400x256xf32, #tpu.memory_space<hbm>>, %arg5: memref<208xi32, #tpu.memory_space<vmem>>, %arg6: memref<200x256xf32, #tpu.memory_space<vmem>>, %arg7: memref<!tpu.dma_semaphore, #tpu.memory_space<semaphore_mem>>, %arg8: memref<!tpu.dma_semaphore, #tpu.memory_space<semaphore_mem>>) attributes {dimension_semantics = [#tpu.dimension_semantics<core_parallel>, #tpu.dimension_semantics<subcore_parallel>], iteration_bounds = array<i64: 2, 16>, scalar_prefetch = 0 : i64, scratch_operands = 4 : i64, tpu.core_type = #tpu.core_type<sc_vector_subcore>, window_params = [{transform_indices = #map}, {transform_indices = #map1}, {transform_indices = #map1}]} {
    %mul3A = arith.constant 2 : i32
    %mul3A_0 = arith.muli %arg1, %mul3A : i32
    %add3A = arith.addi %mul3A_0, %arg0 : i32
    %mul3A_1 = arith.constant 200 : i32
    %mul3A_2 = arith.muli %add3A, %mul3A_1 : i32
    "tpu.region"() ({
      %run_scoped3A = tpu.sem_alloc : memref<!tpu.dma_semaphore, #tpu.memory_space<semaphore_mem>>
      %dma_start3A_193 = arith.constant 0 : i32
      %dma_start3A_194 = tpu.memref_slice %arg5[%dma_start3A_193] : memref<208xi32, #tpu.memory_space<vmem>> -> memref<200xi32, #tpu.memory_space<vmem>>
      %dma_start3A_195 = tpu.memref_slice %arg2[%mul3A_2] : memref<6400xi32, #tpu.memory_space<hbm>> -> memref<200xi32, #tpu.memory_space<hbm>>
      %dma_start3A_196 = arith.constant 0 : i32
      %dma_start3A_197 = tpu.memref_slice %arg5[%dma_start3A_196] : memref<208xi32, #tpu.memory_space<vmem>> -> memref<200xi32, #tpu.memory_space<vmem>>
      %dma_start3A_198 = tpu.memref_slice %arg2[%mul3A_2] : memref<6400xi32, #tpu.memory_space<hbm>> -> memref<200xi32, #tpu.memory_space<hbm>>
      tpu.enqueue_dma source(%dma_start3A_198 : memref<200xi32, #tpu.memory_space<hbm>>) target(%dma_start3A_197 : memref<200xi32, #tpu.memory_space<vmem>>) target_semaphore(%run_scoped3A : memref<!tpu.dma_semaphore, #tpu.memory_space<semaphore_mem>>)
      %dma_wait3A_199 = arith.constant 0 : i32
      %dma_wait3A_200 = tpu.memref_slice %arg5[%dma_wait3A_199] : memref<208xi32, #tpu.memory_space<vmem>> -> memref<200xi32, #tpu.memory_space<vmem>>
      %dma_wait3A_201 = tpu.memref_slice %arg2[%mul3A_2] : memref<6400xi32, #tpu.memory_space<hbm>> -> memref<200xi32, #tpu.memory_space<hbm>>
      %dma_wait3A_202 = arith.constant 0 : i32
      %dma_wait3A_203 = tpu.memref_slice %arg5[%dma_wait3A_202] : memref<208xi32, #tpu.memory_space<vmem>> -> memref<200xi32, #tpu.memory_space<vmem>>
      %dma_wait3A_204 = tpu.memref_slice %arg2[%mul3A_2] : memref<6400xi32, #tpu.memory_space<hbm>> -> memref<200xi32, #tpu.memory_space<hbm>>
      tpu.wait_dma2 semaphore(%run_scoped3A : memref<!tpu.dma_semaphore, #tpu.memory_space<semaphore_mem>>) src(%dma_wait3A_204 : memref<200xi32, #tpu.memory_space<hbm>>) dst(%dma_wait3A_203 : memref<200xi32, #tpu.memory_space<vmem>>)
      tpu.yield
    }) : () -> ()
    %broadcast_in_dim3A = arith.constant 105219 : i32
    %broadcast_in_dim3A_3 = vector.broadcast %broadcast_in_dim3A : i32 to vector<16xi32>
    %broadcast_in_dim3A_4 = arith.constant 0 : i32
    %broadcast_in_dim3A_5 = vector.broadcast %broadcast_in_dim3A_4 : i32 to vector<16xi32>
    %get3A = arith.constant 0 : index
    %get3A_6 = tpu.vector_load %arg5[%get3A] {strides = array<i32>} : memref<208xi32, #tpu.memory_space<vmem>>, vector<16xi32>,
    %get3A_7 = vector.shape_cast %get3A_6 : vector<16xi32> to vector<16xi32>
    %max3A = arith.maxsi %get3A_7, %broadcast_in_dim3A_5 : vector<16xi32>
    %min3A = arith.minsi %max3A, %broadcast_in_dim3A_3 : vector<16xi32>
    %swap3A = arith.constant 0 : index
    %swap3A_8 = tpu.vector_load %arg5[%swap3A] {strides = array<i32>} : memref<208xi32, #tpu.memory_space<vmem>>, vector<16xi32>,
    %swap3A_9 = vector.shape_cast %swap3A_8 : vector<16xi32> to vector<16xi32>
    %swap3A_10 = vector.shape_cast %min3A : vector<16xi32> to vector<16xi32>
    tpu.vector_store %arg5[%swap3A], %swap3A_10 {strides = array<i32>} : memref<208xi32, #tpu.memory_space<vmem>>, vector<16xi32>,
    %get3A_11 = arith.constant 16 : index
    %get3A_12 = tpu.vector_load %arg5[%get3A_11] {strides = array<i32>} : memref<208xi32, #tpu.memory_space<vmem>>, vector<16xi32>,
    %get3A_13 = vector.shape_cast %get3A_12 : vector<16xi32> to vector<16xi32>
    %max3A_14 = arith.maxsi %get3A_13, %broadcast_in_dim3A_5 : vector<16xi32>
    %min3A_15 = arith.minsi %max3A_14, %broadcast_in_dim3A_3 : vector<16xi32>
    %swap3A_16 = arith.constant 16 : index
    %swap3A_17 = tpu.vector_load %arg5[%swap3A_16] {strides = array<i32>} : memref<208xi32, #tpu.memory_space<vmem>>, vector<16xi32>,
    %swap3A_18 = vector.shape_cast %swap3A_17 : vector<16xi32> to vector<16xi32>
    %swap3A_19 = vector.shape_cast %min3A_15 : vector<16xi32> to vector<16xi32>
    tpu.vector_store %arg5[%swap3A_16], %swap3A_19 {strides = array<i32>} : memref<208xi32, #tpu.memory_space<vmem>>, vector<16xi32>,
    %get3A_20 = arith.constant 32 : index
    %get3A_21 = tpu.vector_load %arg5[%get3A_20] {strides = array<i32>} : memref<208xi32, #tpu.memory_space<vmem>>, vector<16xi32>,
    %get3A_22 = vector.shape_cast %get3A_21 : vector<16xi32> to vector<16xi32>
    %max3A_23 = arith.maxsi %get3A_22, %broadcast_in_dim3A_5 : vector<16xi32>
    %min3A_24 = arith.minsi %max3A_23, %broadcast_in_dim3A_3 : vector<16xi32>
    %swap3A_25 = arith.constant 32 : index
    %swap3A_26 = tpu.vector_load %arg5[%swap3A_25] {strides = array<i32>} : memref<208xi32, #tpu.memory_space<vmem>>, vector<16xi32>,
    %swap3A_27 = vector.shape_cast %swap3A_26 : vector<16xi32> to vector<16xi32>
    %swap3A_28 = vector.shape_cast %min3A_24 : vector<16xi32> to vector<16xi32>
    tpu.vector_store %arg5[%swap3A_25], %swap3A_28 {strides = array<i32>} : memref<208xi32, #tpu.memory_space<vmem>>, vector<16xi32>,
    %get3A_29 = arith.constant 48 : index
    %get3A_30 = tpu.vector_load %arg5[%get3A_29] {strides = array<i32>} : memref<208xi32, #tpu.memory_space<vmem>>, vector<16xi32>,
    %get3A_31 = vector.shape_cast %get3A_30 : vector<16xi32> to vector<16xi32>
    %max3A_32 = arith.maxsi %get3A_31, %broadcast_in_dim3A_5 : vector<16xi32>
    %min3A_33 = arith.minsi %max3A_32, %broadcast_in_dim3A_3 : vector<16xi32>
    %swap3A_34 = arith.constant 48 : index
    %swap3A_35 = tpu.vector_load %arg5[%swap3A_34] {strides = array<i32>} : memref<208xi32, #tpu.memory_space<vmem>>, vector<16xi32>,
    %swap3A_36 = vector.shape_cast %swap3A_35 : vector<16xi32> to vector<16xi32>
    %swap3A_37 = vector.shape_cast %min3A_33 : vector<16xi32> to vector<16xi32>
    tpu.vector_store %arg5[%swap3A_34], %swap3A_37 {strides = array<i32>} : memref<208xi32, #tpu.memory_space<vmem>>, vector<16xi32>,
    %get3A_38 = arith.constant 64 : index
    %get3A_39 = tpu.vector_load %arg5[%get3A_38] {strides = array<i32>} : memref<208xi32, #tpu.memory_space<vmem>>, vector<16xi32>,
    %get3A_40 = vector.shape_cast %get3A_39 : vector<16xi32> to vector<16xi32>
    %max3A_41 = arith.maxsi %get3A_40, %broadcast_in_dim3A_5 : vector<16xi32>
    %min3A_42 = arith.minsi %max3A_41, %broadcast_in_dim3A_3 : vector<16xi32>
    %swap3A_43 = arith.constant 64 : index
    %swap3A_44 = tpu.vector_load %arg5[%swap3A_43] {strides = array<i32>} : memref<208xi32, #tpu.memory_space<vmem>>, vector<16xi32>,
    %swap3A_45 = vector.shape_cast %swap3A_44 : vector<16xi32> to vector<16xi32>
    %swap3A_46 = vector.shape_cast %min3A_42 : vector<16xi32> to vector<16xi32>
    tpu.vector_store %arg5[%swap3A_43], %swap3A_46 {strides = array<i32>} : memref<208xi32, #tpu.memory_space<vmem>>, vector<16xi32>,
    %get3A_47 = arith.constant 80 : index
    %get3A_48 = tpu.vector_load %arg5[%get3A_47] {strides = array<i32>} : memref<208xi32, #tpu.memory_space<vmem>>, vector<16xi32>,
    %get3A_49 = vector.shape_cast %get3A_48 : vector<16xi32> to vector<16xi32>
    %max3A_50 = arith.maxsi %get3A_49, %broadcast_in_dim3A_5 : vector<16xi32>
    %min3A_51 = arith.minsi %max3A_50, %broadcast_in_dim3A_3 : vector<16xi32>
    %swap3A_52 = arith.constant 80 : index
    %swap3A_53 = tpu.vector_load %arg5[%swap3A_52] {strides = array<i32>} : memref<208xi32, #tpu.memory_space<vmem>>, vector<16xi32>,
    %swap3A_54 = vector.shape_cast %swap3A_53 : vector<16xi32> to vector<16xi32>
    %swap3A_55 = vector.shape_cast %min3A_51 : vector<16xi32> to vector<16xi32>
    tpu.vector_store %arg5[%swap3A_52], %swap3A_55 {strides = array<i32>} : memref<208xi32, #tpu.memory_space<vmem>>, vector<16xi32>,
    %get3A_56 = arith.constant 96 : index
    %get3A_57 = tpu.vector_load %arg5[%get3A_56] {strides = array<i32>} : memref<208xi32, #tpu.memory_space<vmem>>, vector<16xi32>,
    %get3A_58 = vector.shape_cast %get3A_57 : vector<16xi32> to vector<16xi32>
    %max3A_59 = arith.maxsi %get3A_58, %broadcast_in_dim3A_5 : vector<16xi32>
    %min3A_60 = arith.minsi %max3A_59, %broadcast_in_dim3A_3 : vector<16xi32>
    %swap3A_61 = arith.constant 96 : index
    %swap3A_62 = tpu.vector_load %arg5[%swap3A_61] {strides = array<i32>} : memref<208xi32, #tpu.memory_space<vmem>>, vector<16xi32>,
    %swap3A_63 = vector.shape_cast %swap3A_62 : vector<16xi32> to vector<16xi32>
    %swap3A_64 = vector.shape_cast %min3A_60 : vector<16xi32> to vector<16xi32>
    tpu.vector_store %arg5[%swap3A_61], %swap3A_64 {strides = array<i32>} : memref<208xi32, #tpu.memory_space<vmem>>, vector<16xi32>,
    %get3A_65 = arith.constant 112 : index
    %get3A_66 = tpu.vector_load %arg5[%get3A_65] {strides = array<i32>} : memref<208xi32, #tpu.memory_space<vmem>>, vector<16xi32>,
    %get3A_67 = vector.shape_cast %get3A_66 : vector<16xi32> to vector<16xi32>
    %max3A_68 = arith.maxsi %get3A_67, %broadcast_in_dim3A_5 : vector<16xi32>
    %min3A_69 = arith.minsi %max3A_68, %broadcast_in_dim3A_3 : vector<16xi32>
    %swap3A_70 = arith.constant 112 : index
    %swap3A_71 = tpu.vector_load %arg5[%swap3A_70] {strides = array<i32>} : memref<208xi32, #tpu.memory_space<vmem>>, vector<16xi32>,
    %swap3A_72 = vector.shape_cast %swap3A_71 : vector<16xi32> to vector<16xi32>
    %swap3A_73 = vector.shape_cast %min3A_69 : vector<16xi32> to vector<16xi32>
    tpu.vector_store %arg5[%swap3A_70], %swap3A_73 {strides = array<i32>} : memref<208xi32, #tpu.memory_space<vmem>>, vector<16xi32>,
    %get3A_74 = arith.constant 128 : index
    %get3A_75 = tpu.vector_load %arg5[%get3A_74] {strides = array<i32>} : memref<208xi32, #tpu.memory_space<vmem>>, vector<16xi32>,
    %get3A_76 = vector.shape_cast %get3A_75 : vector<16xi32> to vector<16xi32>
    %max3A_77 = arith.maxsi %get3A_76, %broadcast_in_dim3A_5 : vector<16xi32>
    %min3A_78 = arith.minsi %max3A_77, %broadcast_in_dim3A_3 : vector<16xi32>
    %swap3A_79 = arith.constant 128 : index
    %swap3A_80 = tpu.vector_load %arg5[%swap3A_79] {strides = array<i32>} : memref<208xi32, #tpu.memory_space<vmem>>, vector<16xi32>,
    %swap3A_81 = vector.shape_cast %swap3A_80 : vector<16xi32> to vector<16xi32>
    %swap3A_82 = vector.shape_cast %min3A_78 : vector<16xi32> to vector<16xi32>
    tpu.vector_store %arg5[%swap3A_79], %swap3A_82 {strides = array<i32>} : memref<208xi32, #tpu.memory_space<vmem>>, vector<16xi32>,
    %get3A_83 = arith.constant 144 : index
    %get3A_84 = tpu.vector_load %arg5[%get3A_83] {strides = array<i32>} : memref<208xi32, #tpu.memory_space<vmem>>, vector<16xi32>,
    %get3A_85 = vector.shape_cast %get3A_84 : vector<16xi32> to vector<16xi32>
    %max3A_86 = arith.maxsi %get3A_85, %broadcast_in_dim3A_5 : vector<16xi32>
    %min3A_87 = arith.minsi %max3A_86, %broadcast_in_dim3A_3 : vector<16xi32>
    %swap3A_88 = arith.constant 144 : index
    %swap3A_89 = tpu.vector_load %arg5[%swap3A_88] {strides = array<i32>} : memref<208xi32, #tpu.memory_space<vmem>>, vector<16xi32>,
    %swap3A_90 = vector.shape_cast %swap3A_89 : vector<16xi32> to vector<16xi32>
    %swap3A_91 = vector.shape_cast %min3A_87 : vector<16xi32> to vector<16xi32>
    tpu.vector_store %arg5[%swap3A_88], %swap3A_91 {strides = array<i32>} : memref<208xi32, #tpu.memory_space<vmem>>, vector<16xi32>,
    %get3A_92 = arith.constant 160 : index
    %get3A_93 = tpu.vector_load %arg5[%get3A_92] {strides = array<i32>} : memref<208xi32, #tpu.memory_space<vmem>>, vector<16xi32>,
    %get3A_94 = vector.shape_cast %get3A_93 : vector<16xi32> to vector<16xi32>
    %max3A_95 = arith.maxsi %get3A_94, %broadcast_in_dim3A_5 : vector<16xi32>
    %min3A_96 = arith.minsi %max3A_95, %broadcast_in_dim3A_3 : vector<16xi32>
    %swap3A_97 = arith.constant 160 : index
    %swap3A_98 = tpu.vector_load %arg5[%swap3A_97] {strides = array<i32>} : memref<208xi32, #tpu.memory_space<vmem>>, vector<16xi32>,
    %swap3A_99 = vector.shape_cast %swap3A_98 : vector<16xi32> to vector<16xi32>
    %swap3A_100 = vector.shape_cast %min3A_96 : vector<16xi32> to vector<16xi32>
    tpu.vector_store %arg5[%swap3A_97], %swap3A_100 {strides = array<i32>} : memref<208xi32, #tpu.memory_space<vmem>>, vector<16xi32>,
    %get3A_101 = arith.constant 176 : index
    %get3A_102 = tpu.vector_load %arg5[%get3A_101] {strides = array<i32>} : memref<208xi32, #tpu.memory_space<vmem>>, vector<16xi32>,
    %get3A_103 = vector.shape_cast %get3A_102 : vector<16xi32> to vector<16xi32>
    %max3A_104 = arith.maxsi %get3A_103, %broadcast_in_dim3A_5 : vector<16xi32>
    %min3A_105 = arith.minsi %max3A_104, %broadcast_in_dim3A_3 : vector<16xi32>
    %swap3A_106 = arith.constant 176 : index
    %swap3A_107 = tpu.vector_load %arg5[%swap3A_106] {strides = array<i32>} : memref<208xi32, #tpu.memory_space<vmem>>, vector<16xi32>,
    %swap3A_108 = vector.shape_cast %swap3A_107 : vector<16xi32> to vector<16xi32>
    %swap3A_109 = vector.shape_cast %min3A_105 : vector<16xi32> to vector<16xi32>
    tpu.vector_store %arg5[%swap3A_106], %swap3A_109 {strides = array<i32>} : memref<208xi32, #tpu.memory_space<vmem>>, vector<16xi32>,
    %get3A_110 = arith.constant 192 : index
    %get3A_111 = tpu.vector_load %arg5[%get3A_110] {strides = array<i32>} : memref<208xi32, #tpu.memory_space<vmem>>, vector<16xi32>,
    %get3A_112 = vector.shape_cast %get3A_111 : vector<16xi32> to vector<16xi32>
    %max3A_113 = arith.maxsi %get3A_112, %broadcast_in_dim3A_5 : vector<16xi32>
    %min3A_114 = arith.minsi %max3A_113, %broadcast_in_dim3A_3 : vector<16xi32>
    %swap3A_115 = arith.constant 192 : index
    %swap3A_116 = tpu.vector_load %arg5[%swap3A_115] {strides = array<i32>} : memref<208xi32, #tpu.memory_space<vmem>>, vector<16xi32>,
    %swap3A_117 = vector.shape_cast %swap3A_116 : vector<16xi32> to vector<16xi32>
    %swap3A_118 = vector.shape_cast %min3A_114 : vector<16xi32> to vector<16xi32>
    tpu.vector_store %arg5[%swap3A_115], %swap3A_118 {strides = array<i32>} : memref<208xi32, #tpu.memory_space<vmem>>, vector<16xi32>,
    %dma_start3A = arith.constant 0 : i32
    %dma_start3A_119 = arith.constant 0 : i32
    %dma_start3A_120 = tpu.memref_slice %arg6[%dma_start3A, %dma_start3A_119] : memref<200x256xf32, #tpu.memory_space<vmem>> -> memref<128x256xf32, #tpu.memory_space<vmem>>
    %dma_start3A_121 = arith.constant 0 : i32
    %dma_start3A_122 = tpu.memref_slice %arg5[%dma_start3A_121] : memref<208xi32, #tpu.memory_space<vmem>> -> memref<128xi32, #tpu.memory_space<vmem>>
    %dma_start3A_123 = arith.constant 0 : i32
    %dma_start3A_124 = arith.constant 0 : i32
    %dma_start3A_125 = tpu.memref_slice %arg3[%dma_start3A_123, %dma_start3A_124] : memref<105220x256xf32, #tpu.memory_space<hbm>> -> memref<105220x256xf32, #tpu.memory_space<hbm>>
    tpu.enqueue_indirect_dma source(%dma_start3A_125 : memref<105220x256xf32, #tpu.memory_space<hbm>>) target(%dma_start3A_120 : memref<128x256xf32, #tpu.memory_space<vmem>>) offsets(%dma_start3A_122 : memref<128xi32, #tpu.memory_space<vmem>>) semaphore(%arg7 : memref<!tpu.dma_semaphore, #tpu.memory_space<semaphore_mem>>)
    %dma_start3A_126 = arith.constant 128 : i32
    %dma_start3A_127 = arith.constant 0 : i32
    %dma_start3A_128 = tpu.memref_slice %arg6[%dma_start3A_126, %dma_start3A_127] : memref<200x256xf32, #tpu.memory_space<vmem>> -> memref<72x256xf32, #tpu.memory_space<vmem>>
    %dma_start3A_129 = arith.constant 128 : i32
    %dma_start3A_130 = tpu.memref_slice %arg5[%dma_start3A_129] : memref<208xi32, #tpu.memory_space<vmem>> -> memref<72xi32, #tpu.memory_space<vmem>>
    %dma_start3A_131 = arith.constant 0 : i32
    %dma_start3A_132 = arith.constant 0 : i32
    %dma_start3A_133 = tpu.memref_slice %arg3[%dma_start3A_131, %dma_start3A_132] : memref<105220x256xf32, #tpu.memory_space<hbm>> -> memref<105220x256xf32, #tpu.memory_space<hbm>>
    tpu.enqueue_indirect_dma source(%dma_start3A_133 : memref<105220x256xf32, #tpu.memory_space<hbm>>) target(%dma_start3A_128 : memref<72x256xf32, #tpu.memory_space<vmem>>) offsets(%dma_start3A_130 : memref<72xi32, #tpu.memory_space<vmem>>) semaphore(%arg7 : memref<!tpu.dma_semaphore, #tpu.memory_space<semaphore_mem>>)
    %dma_wait3A = arith.constant 0 : i32
    %dma_wait3A_134 = arith.constant 0 : i32
    %dma_wait3A_135 = tpu.memref_slice %arg6[%dma_wait3A, %dma_wait3A_134] : memref<200x256xf32, #tpu.memory_space<vmem>> -> memref<128x256xf32, #tpu.memory_space<vmem>>
    %dma_wait3A_136 = arith.constant 0 : i32
    %dma_wait3A_137 = tpu.memref_slice %arg5[%dma_wait3A_136] : memref<208xi32, #tpu.memory_space<vmem>> -> memref<128xi32, #tpu.memory_space<vmem>>
    %dma_wait3A_138 = arith.constant 0 : i32
    %dma_wait3A_139 = arith.constant 0 : i32
    %dma_wait3A_140 = tpu.memref_slice %arg3[%dma_wait3A_138, %dma_wait3A_139] : memref<105220x256xf32, #tpu.memory_space<hbm>> -> memref<105220x256xf32, #tpu.memory_space<hbm>>
    tpu.wait_indirect_dma semaphore(%arg7 : memref<!tpu.dma_semaphore, #tpu.memory_space<semaphore_mem>>) src(%dma_wait3A_140 : memref<105220x256xf32, #tpu.memory_space<hbm>>) dst(%dma_wait3A_135 : memref<128x256xf32, #tpu.memory_space<vmem>>)
    %add3A_141 = arith.constant 0 : i32
    %add3A_142 = arith.addi %mul3A_2, %add3A_141 : i32
    %dma_start3A_143 = arith.constant 0 : i32
    %dma_start3A_144 = arith.constant 0 : i32
    %dma_start3A_145 = tpu.memref_slice %arg6[%dma_start3A_143, %dma_start3A_144] : memref<200x256xf32, #tpu.memory_space<vmem>> -> memref<128x256xf32, #tpu.memory_space<vmem>>
    %dma_start3A_146 = arith.constant 0 : i32
    %dma_start3A_147 = tpu.memref_slice %arg4[%add3A_142, %dma_start3A_146] : memref<6400x256xf32, #tpu.memory_space<hbm>> -> memref<128x256xf32, #tpu.memory_space<hbm>>
    %dma_start3A_148 = arith.constant 0 : i32
    %dma_start3A_149 = tpu.memref_slice %arg4[%add3A_142, %dma_start3A_148] : memref<6400x256xf32, #tpu.memory_space<hbm>> -> memref<128x256xf32, #tpu.memory_space<hbm>>
    %dma_start3A_150 = arith.constant 0 : i32
    %dma_start3A_151 = arith.constant 0 : i32
    %dma_start3A_152 = tpu.memref_slice %arg6[%dma_start3A_150, %dma_start3A_151] : memref<200x256xf32, #tpu.memory_space<vmem>> -> memref<128x256xf32, #tpu.memory_space<vmem>>
    tpu.enqueue_dma source(%dma_start3A_152 : memref<128x256xf32, #tpu.memory_space<vmem>>) target(%dma_start3A_149 : memref<128x256xf32, #tpu.memory_space<hbm>>) target_semaphore(%arg8 : memref<!tpu.dma_semaphore, #tpu.memory_space<semaphore_mem>>)
    %dma_wait3A_153 = arith.constant 128 : i32
    %dma_wait3A_154 = arith.constant 0 : i32
    %dma_wait3A_155 = tpu.memref_slice %arg6[%dma_wait3A_153, %dma_wait3A_154] : memref<200x256xf32, #tpu.memory_space<vmem>> -> memref<72x256xf32, #tpu.memory_space<vmem>>
    %dma_wait3A_156 = arith.constant 128 : i32
    %dma_wait3A_157 = tpu.memref_slice %arg5[%dma_wait3A_156] : memref<208xi32, #tpu.memory_space<vmem>> -> memref<72xi32, #tpu.memory_space<vmem>>
    %dma_wait3A_158 = arith.constant 0 : i32
    %dma_wait3A_159 = arith.constant 0 : i32
    %dma_wait3A_160 = tpu.memref_slice %arg3[%dma_wait3A_158, %dma_wait3A_159] : memref<105220x256xf32, #tpu.memory_space<hbm>> -> memref<105220x256xf32, #tpu.memory_space<hbm>>
    tpu.wait_indirect_dma semaphore(%arg7 : memref<!tpu.dma_semaphore, #tpu.memory_space<semaphore_mem>>) src(%dma_wait3A_160 : memref<105220x256xf32, #tpu.memory_space<hbm>>) dst(%dma_wait3A_155 : memref<72x256xf32, #tpu.memory_space<vmem>>)
    %add3A_161 = arith.constant 128 : i32
    %add3A_162 = arith.addi %mul3A_2, %add3A_161 : i32
    %dma_start3A_163 = arith.constant 128 : i32
    %dma_start3A_164 = arith.constant 0 : i32
    %dma_start3A_165 = tpu.memref_slice %arg6[%dma_start3A_163, %dma_start3A_164] : memref<200x256xf32, #tpu.memory_space<vmem>> -> memref<72x256xf32, #tpu.memory_space<vmem>>
    %dma_start3A_166 = arith.constant 0 : i32
    %dma_start3A_167 = tpu.memref_slice %arg4[%add3A_162, %dma_start3A_166] : memref<6400x256xf32, #tpu.memory_space<hbm>> -> memref<72x256xf32, #tpu.memory_space<hbm>>
    %dma_start3A_168 = arith.constant 0 : i32
    %dma_start3A_169 = tpu.memref_slice %arg4[%add3A_162, %dma_start3A_168] : memref<6400x256xf32, #tpu.memory_space<hbm>> -> memref<72x256xf32, #tpu.memory_space<hbm>>
    %dma_start3A_170 = arith.constant 128 : i32
    %dma_start3A_171 = arith.constant 0 : i32
    %dma_start3A_172 = tpu.memref_slice %arg6[%dma_start3A_170, %dma_start3A_171] : memref<200x256xf32, #tpu.memory_space<vmem>> -> memref<72x256xf32, #tpu.memory_space<vmem>>
    tpu.enqueue_dma source(%dma_start3A_172 : memref<72x256xf32, #tpu.memory_space<vmem>>) target(%dma_start3A_169 : memref<72x256xf32, #tpu.memory_space<hbm>>) target_semaphore(%arg8 : memref<!tpu.dma_semaphore, #tpu.memory_space<semaphore_mem>>)
    %dma_wait3A_173 = arith.constant 0 : i32
    %dma_wait3A_174 = arith.constant 0 : i32
    %dma_wait3A_175 = tpu.memref_slice %arg6[%dma_wait3A_173, %dma_wait3A_174] : memref<200x256xf32, #tpu.memory_space<vmem>> -> memref<128x256xf32, #tpu.memory_space<vmem>>
    %dma_wait3A_176 = arith.constant 0 : i32
    %dma_wait3A_177 = tpu.memref_slice %arg4[%add3A_142, %dma_wait3A_176] : memref<6400x256xf32, #tpu.memory_space<hbm>> -> memref<128x256xf32, #tpu.memory_space<hbm>>
    %dma_wait3A_178 = arith.constant 0 : i32
    %dma_wait3A_179 = tpu.memref_slice %arg4[%add3A_142, %dma_wait3A_178] : memref<6400x256xf32, #tpu.memory_space<hbm>> -> memref<128x256xf32, #tpu.memory_space<hbm>>
    %dma_wait3A_180 = arith.constant 0 : i32
    %dma_wait3A_181 = arith.constant 0 : i32
    %dma_wait3A_182 = tpu.memref_slice %arg6[%dma_wait3A_180, %dma_wait3A_181] : memref<200x256xf32, #tpu.memory_space<vmem>> -> memref<128x256xf32, #tpu.memory_space<vmem>>
    tpu.wait_dma2 semaphore(%arg8 : memref<!tpu.dma_semaphore, #tpu.memory_space<semaphore_mem>>) src(%dma_wait3A_182 : memref<128x256xf32, #tpu.memory_space<vmem>>) dst(%dma_wait3A_179 : memref<128x256xf32, #tpu.memory_space<hbm>>)
    %dma_wait3A_183 = arith.constant 128 : i32
    %dma_wait3A_184 = arith.constant 0 : i32
    %dma_wait3A_185 = tpu.memref_slice %arg6[%dma_wait3A_183, %dma_wait3A_184] : memref<200x256xf32, #tpu.memory_space<vmem>> -> memref<72x256xf32, #tpu.memory_space<vmem>>
    %dma_wait3A_186 = arith.constant 0 : i32
    %dma_wait3A_187 = tpu.memref_slice %arg4[%add3A_162, %dma_wait3A_186] : memref<6400x256xf32, #tpu.memory_space<hbm>> -> memref<72x256xf32, #tpu.memory_space<hbm>>
    %dma_wait3A_188 = arith.constant 0 : i32
    %dma_wait3A_189 = tpu.memref_slice %arg4[%add3A_162, %dma_wait3A_188] : memref<6400x256xf32, #tpu.memory_space<hbm>> -> memref<72x256xf32, #tpu.memory_space<hbm>>
    %dma_wait3A_190 = arith.constant 128 : i32
    %dma_wait3A_191 = arith.constant 0 : i32
    %dma_wait3A_192 = tpu.memref_slice %arg6[%dma_wait3A_190, %dma_wait3A_191] : memref<200x256xf32, #tpu.memory_space<vmem>> -> memref<72x256xf32, #tpu.memory_space<vmem>>
    tpu.wait_dma2 semaphore(%arg8 : memref<!tpu.dma_semaphore, #tpu.memory_space<semaphore_mem>>) src(%dma_wait3A_192 : memref<72x256xf32, #tpu.memory_space<vmem>>) dst(%dma_wait3A_189 : memref<72x256xf32, #tpu.memory_space<hbm>>)
    return
  }
}

module attributes {stable_mosaic.version = 14 : i64} {
  func.func @_project_body(%arg0: memref<6400x256xf32, #tpu.memory_space<any>>, %arg1: memref<256x128xf32, #tpu.memory_space<vmem>>, %arg2: memref<1x128xf32, #tpu.memory_space<vmem>>, %arg3: memref<128x256xf32, #tpu.memory_space<vmem>>, %arg4: memref<1x256xf32, #tpu.memory_space<vmem>>, %arg5: memref<1x6400xi32, #tpu.memory_space<vmem>>, %arg6: memref<6400x256xf32, #tpu.memory_space<any>>, %arg7: memref<6400x256xf32, #tpu.memory_space<vmem>>, %arg8: memref<!tpu.dma_semaphore, #tpu.memory_space<semaphore_mem>>, %arg9: memref<!tpu.dma_semaphore, #tpu.memory_space<semaphore_mem>>, %arg10: memref<!tpu.dma_semaphore, #tpu.memory_space<semaphore_mem>>, %arg11: memref<!tpu.dma_semaphore, #tpu.memory_space<semaphore_mem>>) attributes {dimension_semantics = [], scalar_prefetch = 0 : i64, scratch_operands = 5 : i64, tpu.core_type = #tpu.core_type<tc>} {
    %dma_start3A = arith.constant 0 : i32
    %dma_start3A_0 = arith.constant 0 : i32
    %dma_start3A_1 = tpu.memref_slice %arg7[%dma_start3A, %dma_start3A_0] : memref<6400x256xf32, #tpu.memory_space<vmem>> -> memref<1600x256xf32, #tpu.memory_space<vmem>>
    %dma_start3A_2 = arith.constant 0 : i32
    %dma_start3A_3 = arith.constant 0 : i32
    %dma_start3A_4 = tpu.memref_slice %arg0[%dma_start3A_2, %dma_start3A_3] : memref<6400x256xf32, #tpu.memory_space<any>> -> memref<1600x256xf32, #tpu.memory_space<any>>
    tpu.enqueue_dma source(%dma_start3A_4 : memref<1600x256xf32, #tpu.memory_space<any>>) target(%dma_start3A_1 : memref<1600x256xf32, #tpu.memory_space<vmem>>) target_semaphore(%arg8 : memref<!tpu.dma_semaphore, #tpu.memory_space<semaphore_mem>>)
    %dma_start3A_5 = arith.constant 1600 : i32
    %dma_start3A_6 = arith.constant 0 : i32
    %dma_start3A_7 = tpu.memref_slice %arg7[%dma_start3A_5, %dma_start3A_6] : memref<6400x256xf32, #tpu.memory_space<vmem>> -> memref<1600x256xf32, #tpu.memory_space<vmem>>
    %dma_start3A_8 = arith.constant 1600 : i32
    %dma_start3A_9 = arith.constant 0 : i32
    %dma_start3A_10 = tpu.memref_slice %arg0[%dma_start3A_8, %dma_start3A_9] : memref<6400x256xf32, #tpu.memory_space<any>> -> memref<1600x256xf32, #tpu.memory_space<any>>
    tpu.enqueue_dma source(%dma_start3A_10 : memref<1600x256xf32, #tpu.memory_space<any>>) target(%dma_start3A_7 : memref<1600x256xf32, #tpu.memory_space<vmem>>) target_semaphore(%arg9 : memref<!tpu.dma_semaphore, #tpu.memory_space<semaphore_mem>>)
    %dma_start3A_11 = arith.constant 3200 : i32
    %dma_start3A_12 = arith.constant 0 : i32
    %dma_start3A_13 = tpu.memref_slice %arg7[%dma_start3A_11, %dma_start3A_12] : memref<6400x256xf32, #tpu.memory_space<vmem>> -> memref<1600x256xf32, #tpu.memory_space<vmem>>
    %dma_start3A_14 = arith.constant 3200 : i32
    %dma_start3A_15 = arith.constant 0 : i32
    %dma_start3A_16 = tpu.memref_slice %arg0[%dma_start3A_14, %dma_start3A_15] : memref<6400x256xf32, #tpu.memory_space<any>> -> memref<1600x256xf32, #tpu.memory_space<any>>
    tpu.enqueue_dma source(%dma_start3A_16 : memref<1600x256xf32, #tpu.memory_space<any>>) target(%dma_start3A_13 : memref<1600x256xf32, #tpu.memory_space<vmem>>) target_semaphore(%arg10 : memref<!tpu.dma_semaphore, #tpu.memory_space<semaphore_mem>>)
    %dma_start3A_17 = arith.constant 4800 : i32
    %dma_start3A_18 = arith.constant 0 : i32
    %dma_start3A_19 = tpu.memref_slice %arg7[%dma_start3A_17, %dma_start3A_18] : memref<6400x256xf32, #tpu.memory_space<vmem>> -> memref<1600x256xf32, #tpu.memory_space<vmem>>
    %dma_start3A_20 = arith.constant 4800 : i32
    %dma_start3A_21 = arith.constant 0 : i32
    %dma_start3A_22 = tpu.memref_slice %arg0[%dma_start3A_20, %dma_start3A_21] : memref<6400x256xf32, #tpu.memory_space<any>> -> memref<1600x256xf32, #tpu.memory_space<any>>
    tpu.enqueue_dma source(%dma_start3A_22 : memref<1600x256xf32, #tpu.memory_space<any>>) target(%dma_start3A_19 : memref<1600x256xf32, #tpu.memory_space<vmem>>) target_semaphore(%arg11 : memref<!tpu.dma_semaphore, #tpu.memory_space<semaphore_mem>>)
    %iota3A = tpu.iota {dimensions = array<i32: 0>} : vector<32x1600xi32>
    %iota3A_23 = tpu.iota {dimensions = array<i32: 1>} : vector<32x1600xi32>
    %mul3A = arith.constant 50 : i32
    %mul3A_24 = vector.broadcast %mul3A : i32 to vector<32x1600xi32>
    %mul3A_25 = arith.muli %iota3A, %mul3A_24 : vector<32x1600xi32>
    %sub3A = arith.subi %iota3A_23, %mul3A_25 : vector<32x1600xi32>
    %ge3A = arith.constant 0 : i32
    %ge3A_26 = vector.broadcast %ge3A : i32 to vector<32x1600xi32>
    %ge3A_27 = arith.cmpi sge, %sub3A, %ge3A_26 : vector<32x1600xi32>
    %lt3A = arith.constant 50 : i32
    %lt3A_28 = vector.broadcast %lt3A : i32 to vector<32x1600xi32>
    %lt3A_29 = arith.cmpi slt, %sub3A, %lt3A_28 : vector<32x1600xi32>
    %and3A = arith.andi %ge3A_27, %lt3A_29 : vector<32x1600xi1>
    %jit3A = arith.constant 2.000000e-02 : f32
    %jit3A_30 = arith.constant 0.000000e+00 : f32
    %broadcast_in_dim3A = vector.broadcast %jit3A : f32 to vector<32x1600xf32>
    %broadcast_in_dim3A_31 = vector.broadcast %jit3A_30 : f32 to vector<32x1600xf32>
    %select_n3A = arith.select %and3A, %broadcast_in_dim3A, %broadcast_in_dim3A_31 : vector<32x1600xi1>, vector<32x1600xf32>
    %dma_wait3A = arith.constant 0 : i32
    %dma_wait3A_32 = arith.constant 0 : i32
    %dma_wait3A_33 = tpu.memref_slice %arg7[%dma_wait3A, %dma_wait3A_32] : memref<6400x256xf32, #tpu.memory_space<vmem>> -> memref<1600x256xf32, #tpu.memory_space<vmem>>
    %dma_wait3A_34 = arith.constant 0 : i32
    %dma_wait3A_35 = arith.constant 0 : i32
    %dma_wait3A_36 = tpu.memref_slice %arg0[%dma_wait3A_34, %dma_wait3A_35] : memref<6400x256xf32, #tpu.memory_space<any>> -> memref<1600x256xf32, #tpu.memory_space<any>>
    tpu.wait_dma2 semaphore(%arg8 : memref<!tpu.dma_semaphore, #tpu.memory_space<semaphore_mem>>) src(%dma_wait3A_36 : memref<1600x256xf32, #tpu.memory_space<any>>) dst(%dma_wait3A_33 : memref<1600x256xf32, #tpu.memory_space<vmem>>)
    %get3A = arith.constant 0 : index
    %get3A_37 = arith.constant 0 : index
    %get3A_38 = vector.load %arg7[%get3A, %get3A_37] : memref<6400x256xf32, #tpu.memory_space<vmem>>, vector<1600x256xf32>
    %get3A_39 = arith.constant 0 : index
    %get3A_40 = arith.constant 0 : index
    %get3A_41 = vector.load %arg1[%get3A_39, %get3A_40] : memref<256x128xf32, #tpu.memory_space<vmem>>, vector<256x128xf32>
    %dot_general3A = arith.constant dense<0.000000e+00> : vector<1600x128xf32>
    %dot_general3A_42 = tpu.matmul %get3A_38, %get3A_41, %dot_general3A {dimension_numbers = #tpu.dot_dimension_numbers<[1], [0], [0], [1], [0, 0, 1, 1], [], []>, transpose_lhs_hint = false} : vector<1600x256xf32>, vector<256x128xf32>, vector<1600x128xf32> -> vector<1600x128xf32>
    %get3A_43 = arith.constant 0 : index
    %get3A_44 = arith.constant 0 : index
    %get3A_45 = vector.load %arg2[%get3A_43, %get3A_44] : memref<1x128xf32, #tpu.memory_space<vmem>>, vector<1x128xf32>
    %add3A = vector.broadcast %get3A_45 : vector<1x128xf32> to vector<1600x128xf32>
    %add3A_46 = arith.addf %dot_general3A_42, %add3A : vector<1600x128xf32>
    %ge3A_47 = arith.constant 0.000000e+00 : f32
    %ge3A_48 = vector.broadcast %ge3A_47 : f32 to vector<1600x128xf32>
    %ge3A_49 = arith.cmpf oge, %add3A_46, %ge3A_48 : vector<1600x128xf32>
    %mul3A_50 = arith.constant 0.00999999977 : f32
    %mul3A_51 = vector.broadcast %mul3A_50 : f32 to vector<1600x128xf32>
    %mul3A_52 = arith.mulf %mul3A_51, %add3A_46 : vector<1600x128xf32>
    %select_n3A_53 = arith.select %ge3A_49, %add3A_46, %mul3A_52 : vector<1600x128xi1>, vector<1600x128xf32>
    %dot_general3A_54 = arith.constant dense<0.000000e+00> : vector<32x128xf32>
    %dot_general3A_55 = tpu.matmul %select_n3A, %select_n3A_53, %dot_general3A_54 {dimension_numbers = #tpu.dot_dimension_numbers<[1], [0], [0], [1], [0, 0, 1, 1], [], []>, transpose_lhs_hint = false} : vector<32x1600xf32>, vector<1600x128xf32>, vector<32x128xf32> -> vector<32x128xf32>
    %dma_wait3A_56 = arith.constant 1600 : i32
    %dma_wait3A_57 = arith.constant 0 : i32
    %dma_wait3A_58 = tpu.memref_slice %arg7[%dma_wait3A_56, %dma_wait3A_57] : memref<6400x256xf32, #tpu.memory_space<vmem>> -> memref<1600x256xf32, #tpu.memory_space<vmem>>
    %dma_wait3A_59 = arith.constant 1600 : i32
    %dma_wait3A_60 = arith.constant 0 : i32
    %dma_wait3A_61 = tpu.memref_slice %arg0[%dma_wait3A_59, %dma_wait3A_60] : memref<6400x256xf32, #tpu.memory_space<any>> -> memref<1600x256xf32, #tpu.memory_space<any>>
    tpu.wait_dma2 semaphore(%arg9 : memref<!tpu.dma_semaphore, #tpu.memory_space<semaphore_mem>>) src(%dma_wait3A_61 : memref<1600x256xf32, #tpu.memory_space<any>>) dst(%dma_wait3A_58 : memref<1600x256xf32, #tpu.memory_space<vmem>>)
    %get3A_62 = arith.constant 1600 : index
    %get3A_63 = arith.constant 0 : index
    %get3A_64 = vector.load %arg7[%get3A_62, %get3A_63] : memref<6400x256xf32, #tpu.memory_space<vmem>>, vector<1600x256xf32>
    %get3A_65 = arith.constant 0 : index
    %get3A_66 = arith.constant 0 : index
    %get3A_67 = vector.load %arg1[%get3A_65, %get3A_66] : memref<256x128xf32, #tpu.memory_space<vmem>>, vector<256x128xf32>
    %dot_general3A_68 = arith.constant dense<0.000000e+00> : vector<1600x128xf32>
    %dot_general3A_69 = tpu.matmul %get3A_64, %get3A_67, %dot_general3A_68 {dimension_numbers = #tpu.dot_dimension_numbers<[1], [0], [0], [1], [0, 0, 1, 1], [], []>, transpose_lhs_hint = false} : vector<1600x256xf32>, vector<256x128xf32>, vector<1600x128xf32> -> vector<1600x128xf32>
    %get3A_70 = arith.constant 0 : index
    %get3A_71 = arith.constant 0 : index
    %get3A_72 = vector.load %arg2[%get3A_70, %get3A_71] : memref<1x128xf32, #tpu.memory_space<vmem>>, vector<1x128xf32>
    %add3A_73 = vector.broadcast %get3A_72 : vector<1x128xf32> to vector<1600x128xf32>
    %add3A_74 = arith.addf %dot_general3A_69, %add3A_73 : vector<1600x128xf32>
    %ge3A_75 = arith.constant 0.000000e+00 : f32
    %ge3A_76 = vector.broadcast %ge3A_75 : f32 to vector<1600x128xf32>
    %ge3A_77 = arith.cmpf oge, %add3A_74, %ge3A_76 : vector<1600x128xf32>
    %mul3A_78 = arith.constant 0.00999999977 : f32
    %mul3A_79 = vector.broadcast %mul3A_78 : f32 to vector<1600x128xf32>
    %mul3A_80 = arith.mulf %mul3A_79, %add3A_74 : vector<1600x128xf32>
    %select_n3A_81 = arith.select %ge3A_77, %add3A_74, %mul3A_80 : vector<1600x128xi1>, vector<1600x128xf32>
    %dot_general3A_82 = arith.constant dense<0.000000e+00> : vector<32x128xf32>
    %dot_general3A_83 = tpu.matmul %select_n3A, %select_n3A_81, %dot_general3A_82 {dimension_numbers = #tpu.dot_dimension_numbers<[1], [0], [0], [1], [0, 0, 1, 1], [], []>, transpose_lhs_hint = false} : vector<32x1600xf32>, vector<1600x128xf32>, vector<32x128xf32> -> vector<32x128xf32>
    %dma_wait3A_84 = arith.constant 3200 : i32
    %dma_wait3A_85 = arith.constant 0 : i32
    %dma_wait3A_86 = tpu.memref_slice %arg7[%dma_wait3A_84, %dma_wait3A_85] : memref<6400x256xf32, #tpu.memory_space<vmem>> -> memref<1600x256xf32, #tpu.memory_space<vmem>>
    %dma_wait3A_87 = arith.constant 3200 : i32
    %dma_wait3A_88 = arith.constant 0 : i32
    %dma_wait3A_89 = tpu.memref_slice %arg0[%dma_wait3A_87, %dma_wait3A_88] : memref<6400x256xf32, #tpu.memory_space<any>> -> memref<1600x256xf32, #tpu.memory_space<any>>
    tpu.wait_dma2 semaphore(%arg10 : memref<!tpu.dma_semaphore, #tpu.memory_space<semaphore_mem>>) src(%dma_wait3A_89 : memref<1600x256xf32, #tpu.memory_space<any>>) dst(%dma_wait3A_86 : memref<1600x256xf32, #tpu.memory_space<vmem>>)
    %get3A_90 = arith.constant 3200 : index
    %get3A_91 = arith.constant 0 : index
    %get3A_92 = vector.load %arg7[%get3A_90, %get3A_91] : memref<6400x256xf32, #tpu.memory_space<vmem>>, vector<1600x256xf32>
    %get3A_93 = arith.constant 0 : index
    %get3A_94 = arith.constant 0 : index
    %get3A_95 = vector.load %arg1[%get3A_93, %get3A_94] : memref<256x128xf32, #tpu.memory_space<vmem>>, vector<256x128xf32>
    %dot_general3A_96 = arith.constant dense<0.000000e+00> : vector<1600x128xf32>
    %dot_general3A_97 = tpu.matmul %get3A_92, %get3A_95, %dot_general3A_96 {dimension_numbers = #tpu.dot_dimension_numbers<[1], [0], [0], [1], [0, 0, 1, 1], [], []>, transpose_lhs_hint = false} : vector<1600x256xf32>, vector<256x128xf32>, vector<1600x128xf32> -> vector<1600x128xf32>
    %get3A_98 = arith.constant 0 : index
    %get3A_99 = arith.constant 0 : index
    %get3A_100 = vector.load %arg2[%get3A_98, %get3A_99] : memref<1x128xf32, #tpu.memory_space<vmem>>, vector<1x128xf32>
    %add3A_101 = vector.broadcast %get3A_100 : vector<1x128xf32> to vector<1600x128xf32>
    %add3A_102 = arith.addf %dot_general3A_97, %add3A_101 : vector<1600x128xf32>
    %ge3A_103 = arith.constant 0.000000e+00 : f32
    %ge3A_104 = vector.broadcast %ge3A_103 : f32 to vector<1600x128xf32>
    %ge3A_105 = arith.cmpf oge, %add3A_102, %ge3A_104 : vector<1600x128xf32>
    %mul3A_106 = arith.constant 0.00999999977 : f32
    %mul3A_107 = vector.broadcast %mul3A_106 : f32 to vector<1600x128xf32>
    %mul3A_108 = arith.mulf %mul3A_107, %add3A_102 : vector<1600x128xf32>
    %select_n3A_109 = arith.select %ge3A_105, %add3A_102, %mul3A_108 : vector<1600x128xi1>, vector<1600x128xf32>
    %dot_general3A_110 = arith.constant dense<0.000000e+00> : vector<32x128xf32>
    %dot_general3A_111 = tpu.matmul %select_n3A, %select_n3A_109, %dot_general3A_110 {dimension_numbers = #tpu.dot_dimension_numbers<[1], [0], [0], [1], [0, 0, 1, 1], [], []>, transpose_lhs_hint = false} : vector<32x1600xf32>, vector<1600x128xf32>, vector<32x128xf32> -> vector<32x128xf32>
    %dma_wait3A_112 = arith.constant 4800 : i32
    %dma_wait3A_113 = arith.constant 0 : i32
    %dma_wait3A_114 = tpu.memref_slice %arg7[%dma_wait3A_112, %dma_wait3A_113] : memref<6400x256xf32, #tpu.memory_space<vmem>> -> memref<1600x256xf32, #tpu.memory_space<vmem>>
    %dma_wait3A_115 = arith.constant 4800 : i32
    %dma_wait3A_116 = arith.constant 0 : i32
    %dma_wait3A_117 = tpu.memref_slice %arg0[%dma_wait3A_115, %dma_wait3A_116] : memref<6400x256xf32, #tpu.memory_space<any>> -> memref<1600x256xf32, #tpu.memory_space<any>>
    tpu.wait_dma2 semaphore(%arg11 : memref<!tpu.dma_semaphore, #tpu.memory_space<semaphore_mem>>) src(%dma_wait3A_117 : memref<1600x256xf32, #tpu.memory_space<any>>) dst(%dma_wait3A_114 : memref<1600x256xf32, #tpu.memory_space<vmem>>)
    %get3A_118 = arith.constant 4800 : index
    %get3A_119 = arith.constant 0 : index
    %get3A_120 = vector.load %arg7[%get3A_118, %get3A_119] : memref<6400x256xf32, #tpu.memory_space<vmem>>, vector<1600x256xf32>
    %get3A_121 = arith.constant 0 : index
    %get3A_122 = arith.constant 0 : index
    %get3A_123 = vector.load %arg1[%get3A_121, %get3A_122] : memref<256x128xf32, #tpu.memory_space<vmem>>, vector<256x128xf32>
    %dot_general3A_124 = arith.constant dense<0.000000e+00> : vector<1600x128xf32>
    %dot_general3A_125 = tpu.matmul %get3A_120, %get3A_123, %dot_general3A_124 {dimension_numbers = #tpu.dot_dimension_numbers<[1], [0], [0], [1], [0, 0, 1, 1], [], []>, transpose_lhs_hint = false} : vector<1600x256xf32>, vector<256x128xf32>, vector<1600x128xf32> -> vector<1600x128xf32>
    %get3A_126 = arith.constant 0 : index
    %get3A_127 = arith.constant 0 : index
    %get3A_128 = vector.load %arg2[%get3A_126, %get3A_127] : memref<1x128xf32, #tpu.memory_space<vmem>>, vector<1x128xf32>
    %add3A_129 = vector.broadcast %get3A_128 : vector<1x128xf32> to vector<1600x128xf32>
    %add3A_130 = arith.addf %dot_general3A_125, %add3A_129 : vector<1600x128xf32>
    %ge3A_131 = arith.constant 0.000000e+00 : f32
    %ge3A_132 = vector.broadcast %ge3A_131 : f32 to vector<1600x128xf32>
    %ge3A_133 = arith.cmpf oge, %add3A_130, %ge3A_132 : vector<1600x128xf32>
    %mul3A_134 = arith.constant 0.00999999977 : f32
    %mul3A_135 = vector.broadcast %mul3A_134 : f32 to vector<1600x128xf32>
    %mul3A_136 = arith.mulf %mul3A_135, %add3A_130 : vector<1600x128xf32>
    %select_n3A_137 = arith.select %ge3A_133, %add3A_130, %mul3A_136 : vector<1600x128xi1>, vector<1600x128xf32>
    %dot_general3A_138 = arith.constant dense<0.000000e+00> : vector<32x128xf32>
    %dot_general3A_139 = tpu.matmul %select_n3A, %select_n3A_137, %dot_general3A_138 {dimension_numbers = #tpu.dot_dimension_numbers<[1], [0], [0], [1], [0, 0, 1, 1], [], []>, transpose_lhs_hint = false} : vector<32x1600xf32>, vector<1600x128xf32>, vector<32x128xf32> -> vector<32x128xf32>
    %concatenate3A = tpu.concatenate %dot_general3A_55, %dot_general3A_83, %dot_general3A_111, %dot_general3A_139 in 0 : vector<32x128xf32>, vector<32x128xf32>, vector<32x128xf32>, vector<32x128xf32> -> vector<128x128xf32>
    %get3A_140 = arith.constant 0 : index
    %get3A_141 = arith.constant 0 : index
    %get3A_142 = vector.load %arg3[%get3A_140, %get3A_141] : memref<128x256xf32, #tpu.memory_space<vmem>>, vector<128x256xf32>
    %dot_general3A_143 = arith.constant dense<0.000000e+00> : vector<128x256xf32>
    %dot_general3A_144 = tpu.matmul %concatenate3A, %get3A_142, %dot_general3A_143 {dimension_numbers = #tpu.dot_dimension_numbers<[1], [0], [0], [1], [0, 0, 1, 1], [], []>, transpose_lhs_hint = false} : vector<128x128xf32>, vector<128x256xf32>, vector<128x256xf32> -> vector<128x256xf32>
    %get3A_145 = arith.constant 0 : index
    %get3A_146 = arith.constant 0 : index
    %get3A_147 = vector.load %arg4[%get3A_145, %get3A_146] : memref<1x256xf32, #tpu.memory_space<vmem>>, vector<1x256xf32>
    %add3A_148 = vector.broadcast %get3A_147 : vector<1x256xf32> to vector<128x256xf32>
    %add3A_149 = arith.addf %dot_general3A_144, %add3A_148 : vector<128x256xf32>
    %get3A_150 = arith.constant 0 : index
    %get3A_151 = arith.constant 0 : index
    %get3A_152 = vector.load %arg5[%get3A_150, %get3A_151] : memref<1x6400xi32, #tpu.memory_space<vmem>>, vector<1x1600xi32>
    %broadcast_in_dim3A_153 = vector.shape_cast %get3A_152 : vector<1x1600xi32> to vector<1x1600xi32>
    %broadcast_in_dim3A_154 = vector.broadcast %broadcast_in_dim3A_153 : vector<1x1600xi32> to vector<128x1600xi32>
    %iota3A_155 = tpu.iota {dimensions = array<i32: 0>} : vector<128x1600xi32>
    %eq3A = arith.cmpi eq, %broadcast_in_dim3A_154, %iota3A_155 : vector<128x1600xi32>
    %jit3A_156 = arith.constant 1.000000e+00 : f32
    %jit3A_157 = arith.constant 0.000000e+00 : f32
    %broadcast_in_dim3A_158 = vector.broadcast %jit3A_156 : f32 to vector<128x1600xf32>
    %broadcast_in_dim3A_159 = vector.broadcast %jit3A_157 : f32 to vector<128x1600xf32>
    %select_n3A_160 = arith.select %eq3A, %broadcast_in_dim3A_158, %broadcast_in_dim3A_159 : vector<128x1600xi1>, vector<128x1600xf32>
    %dot_general3A_161 = arith.constant dense<0.000000e+00> : vector<1600x256xf32>
    %dot_general3A_162 = tpu.matmul %select_n3A_160, %add3A_149, %dot_general3A_161 {dimension_numbers = #tpu.dot_dimension_numbers<[0], [0], [1], [1], [0, 1, 1, 1], [], []>, transpose_lhs_hint = false} : vector<128x1600xf32>, vector<128x256xf32>, vector<1600x256xf32> -> vector<1600x256xf32>
    %swap3A = arith.constant 0 : index
    %swap3A_163 = arith.constant 0 : index
    %swap3A_164 = vector.load %arg7[%swap3A, %swap3A_163] : memref<6400x256xf32, #tpu.memory_space<vmem>>, vector<1600x256xf32>
    tpu.vector_store %arg7[%swap3A, %swap3A_163], %dot_general3A_162 {strides = array<i32>} : memref<6400x256xf32, #tpu.memory_space<vmem>>, vector<1600x256xf32>,
    %dma_start3A_165 = arith.constant 0 : i32
    %dma_start3A_166 = arith.constant 0 : i32
    %dma_start3A_167 = tpu.memref_slice %arg6[%dma_start3A_165, %dma_start3A_166] : memref<6400x256xf32, #tpu.memory_space<any>> -> memref<1600x256xf32, #tpu.memory_space<any>>
    %dma_start3A_168 = arith.constant 0 : i32
    %dma_start3A_169 = arith.constant 0 : i32
    %dma_start3A_170 = tpu.memref_slice %arg7[%dma_start3A_168, %dma_start3A_169] : memref<6400x256xf32, #tpu.memory_space<vmem>> -> memref<1600x256xf32, #tpu.memory_space<vmem>>
    tpu.enqueue_dma source(%dma_start3A_170 : memref<1600x256xf32, #tpu.memory_space<vmem>>) target(%dma_start3A_167 : memref<1600x256xf32, #tpu.memory_space<any>>) target_semaphore(%arg8 : memref<!tpu.dma_semaphore, #tpu.memory_space<semaphore_mem>>)
    %get3A_171 = arith.constant 0 : index
    %get3A_172 = arith.constant 1600 : index
    %get3A_173 = vector.load %arg5[%get3A_171, %get3A_172] : memref<1x6400xi32, #tpu.memory_space<vmem>>, vector<1x1600xi32>
    %broadcast_in_dim3A_174 = vector.shape_cast %get3A_173 : vector<1x1600xi32> to vector<1x1600xi32>
    %broadcast_in_dim3A_175 = vector.broadcast %broadcast_in_dim3A_174 : vector<1x1600xi32> to vector<128x1600xi32>
    %iota3A_176 = tpu.iota {dimensions = array<i32: 0>} : vector<128x1600xi32>
    %eq3A_177 = arith.cmpi eq, %broadcast_in_dim3A_175, %iota3A_176 : vector<128x1600xi32>
    %jit3A_178 = arith.constant 1.000000e+00 : f32
    %jit3A_179 = arith.constant 0.000000e+00 : f32
    %broadcast_in_dim3A_180 = vector.broadcast %jit3A_178 : f32 to vector<128x1600xf32>
    %broadcast_in_dim3A_181 = vector.broadcast %jit3A_179 : f32 to vector<128x1600xf32>
    %select_n3A_182 = arith.select %eq3A_177, %broadcast_in_dim3A_180, %broadcast_in_dim3A_181 : vector<128x1600xi1>, vector<128x1600xf32>
    %dot_general3A_183 = arith.constant dense<0.000000e+00> : vector<1600x256xf32>
    %dot_general3A_184 = tpu.matmul %select_n3A_182, %add3A_149, %dot_general3A_183 {dimension_numbers = #tpu.dot_dimension_numbers<[0], [0], [1], [1], [0, 1, 1, 1], [], []>, transpose_lhs_hint = false} : vector<128x1600xf32>, vector<128x256xf32>, vector<1600x256xf32> -> vector<1600x256xf32>
    %swap3A_185 = arith.constant 1600 : index
    %swap3A_186 = arith.constant 0 : index
    %swap3A_187 = vector.load %arg7[%swap3A_185, %swap3A_186] : memref<6400x256xf32, #tpu.memory_space<vmem>>, vector<1600x256xf32>
    tpu.vector_store %arg7[%swap3A_185, %swap3A_186], %dot_general3A_184 {strides = array<i32>} : memref<6400x256xf32, #tpu.memory_space<vmem>>, vector<1600x256xf32>,
    %dma_start3A_188 = arith.constant 1600 : i32
    %dma_start3A_189 = arith.constant 0 : i32
    %dma_start3A_190 = tpu.memref_slice %arg6[%dma_start3A_188, %dma_start3A_189] : memref<6400x256xf32, #tpu.memory_space<any>> -> memref<1600x256xf32, #tpu.memory_space<any>>
    %dma_start3A_191 = arith.constant 1600 : i32
    %dma_start3A_192 = arith.constant 0 : i32
    %dma_start3A_193 = tpu.memref_slice %arg7[%dma_start3A_191, %dma_start3A_192] : memref<6400x256xf32, #tpu.memory_space<vmem>> -> memref<1600x256xf32, #tpu.memory_space<vmem>>
    tpu.enqueue_dma source(%dma_start3A_193 : memref<1600x256xf32, #tpu.memory_space<vmem>>) target(%dma_start3A_190 : memref<1600x256xf32, #tpu.memory_space<any>>) target_semaphore(%arg9 : memref<!tpu.dma_semaphore, #tpu.memory_space<semaphore_mem>>)
    %get3A_194 = arith.constant 0 : index
    %get3A_195 = arith.constant 3200 : index
    %get3A_196 = vector.load %arg5[%get3A_194, %get3A_195] : memref<1x6400xi32, #tpu.memory_space<vmem>>, vector<1x1600xi32>
    %broadcast_in_dim3A_197 = vector.shape_cast %get3A_196 : vector<1x1600xi32> to vector<1x1600xi32>
    %broadcast_in_dim3A_198 = vector.broadcast %broadcast_in_dim3A_197 : vector<1x1600xi32> to vector<128x1600xi32>
    %iota3A_199 = tpu.iota {dimensions = array<i32: 0>} : vector<128x1600xi32>
    %eq3A_200 = arith.cmpi eq, %broadcast_in_dim3A_198, %iota3A_199 : vector<128x1600xi32>
    %jit3A_201 = arith.constant 1.000000e+00 : f32
    %jit3A_202 = arith.constant 0.000000e+00 : f32
    %broadcast_in_dim3A_203 = vector.broadcast %jit3A_201 : f32 to vector<128x1600xf32>
    %broadcast_in_dim3A_204 = vector.broadcast %jit3A_202 : f32 to vector<128x1600xf32>
    %select_n3A_205 = arith.select %eq3A_200, %broadcast_in_dim3A_203, %broadcast_in_dim3A_204 : vector<128x1600xi1>, vector<128x1600xf32>
    %dot_general3A_206 = arith.constant dense<0.000000e+00> : vector<1600x256xf32>
    %dot_general3A_207 = tpu.matmul %select_n3A_205, %add3A_149, %dot_general3A_206 {dimension_numbers = #tpu.dot_dimension_numbers<[0], [0], [1], [1], [0, 1, 1, 1], [], []>, transpose_lhs_hint = false} : vector<128x1600xf32>, vector<128x256xf32>, vector<1600x256xf32> -> vector<1600x256xf32>
    %swap3A_208 = arith.constant 3200 : index
    %swap3A_209 = arith.constant 0 : index
    %swap3A_210 = vector.load %arg7[%swap3A_208, %swap3A_209] : memref<6400x256xf32, #tpu.memory_space<vmem>>, vector<1600x256xf32>
    tpu.vector_store %arg7[%swap3A_208, %swap3A_209], %dot_general3A_207 {strides = array<i32>} : memref<6400x256xf32, #tpu.memory_space<vmem>>, vector<1600x256xf32>,
    %dma_start3A_211 = arith.constant 3200 : i32
    %dma_start3A_212 = arith.constant 0 : i32
    %dma_start3A_213 = tpu.memref_slice %arg6[%dma_start3A_211, %dma_start3A_212] : memref<6400x256xf32, #tpu.memory_space<any>> -> memref<1600x256xf32, #tpu.memory_space<any>>
    %dma_start3A_214 = arith.constant 3200 : i32
    %dma_start3A_215 = arith.constant 0 : i32
    %dma_start3A_216 = tpu.memref_slice %arg7[%dma_start3A_214, %dma_start3A_215] : memref<6400x256xf32, #tpu.memory_space<vmem>> -> memref<1600x256xf32, #tpu.memory_space<vmem>>
    tpu.enqueue_dma source(%dma_start3A_216 : memref<1600x256xf32, #tpu.memory_space<vmem>>) target(%dma_start3A_213 : memref<1600x256xf32, #tpu.memory_space<any>>) target_semaphore(%arg10 : memref<!tpu.dma_semaphore, #tpu.memory_space<semaphore_mem>>)
    %get3A_217 = arith.constant 0 : index
    %get3A_218 = arith.constant 4800 : index
    %get3A_219 = vector.load %arg5[%get3A_217, %get3A_218] : memref<1x6400xi32, #tpu.memory_space<vmem>>, vector<1x1600xi32>
    %broadcast_in_dim3A_220 = vector.shape_cast %get3A_219 : vector<1x1600xi32> to vector<1x1600xi32>
    %broadcast_in_dim3A_221 = vector.broadcast %broadcast_in_dim3A_220 : vector<1x1600xi32> to vector<128x1600xi32>
    %iota3A_222 = tpu.iota {dimensions = array<i32: 0>} : vector<128x1600xi32>
    %eq3A_223 = arith.cmpi eq, %broadcast_in_dim3A_221, %iota3A_222 : vector<128x1600xi32>
    %jit3A_224 = arith.constant 1.000000e+00 : f32
    %jit3A_225 = arith.constant 0.000000e+00 : f32
    %broadcast_in_dim3A_226 = vector.broadcast %jit3A_224 : f32 to vector<128x1600xf32>
    %broadcast_in_dim3A_227 = vector.broadcast %jit3A_225 : f32 to vector<128x1600xf32>
    %select_n3A_228 = arith.select %eq3A_223, %broadcast_in_dim3A_226, %broadcast_in_dim3A_227 : vector<128x1600xi1>, vector<128x1600xf32>
    %dot_general3A_229 = arith.constant dense<0.000000e+00> : vector<1600x256xf32>
    %dot_general3A_230 = tpu.matmul %select_n3A_228, %add3A_149, %dot_general3A_229 {dimension_numbers = #tpu.dot_dimension_numbers<[0], [0], [1], [1], [0, 1, 1, 1], [], []>, transpose_lhs_hint = false} : vector<128x1600xf32>, vector<128x256xf32>, vector<1600x256xf32> -> vector<1600x256xf32>
    %swap3A_231 = arith.constant 4800 : index
    %swap3A_232 = arith.constant 0 : index
    %swap3A_233 = vector.load %arg7[%swap3A_231, %swap3A_232] : memref<6400x256xf32, #tpu.memory_space<vmem>>, vector<1600x256xf32>
    tpu.vector_store %arg7[%swap3A_231, %swap3A_232], %dot_general3A_230 {strides = array<i32>} : memref<6400x256xf32, #tpu.memory_space<vmem>>, vector<1600x256xf32>,
    %dma_start3A_234 = arith.constant 4800 : i32
    %dma_start3A_235 = arith.constant 0 : i32
    %dma_start3A_236 = tpu.memref_slice %arg6[%dma_start3A_234, %dma_start3A_235] : memref<6400x256xf32, #tpu.memory_space<any>> -> memref<1600x256xf32, #tpu.memory_space<any>>
    %dma_start3A_237 = arith.constant 4800 : i32
    %dma_start3A_238 = arith.constant 0 : i32
    %dma_start3A_239 = tpu.memref_slice %arg7[%dma_start3A_237, %dma_start3A_238] : memref<6400x256xf32, #tpu.memory_space<vmem>> -> memref<1600x256xf32, #tpu.memory_space<vmem>>
    tpu.enqueue_dma source(%dma_start3A_239 : memref<1600x256xf32, #tpu.memory_space<vmem>>) target(%dma_start3A_236 : memref<1600x256xf32, #tpu.memory_space<any>>) target_semaphore(%arg11 : memref<!tpu.dma_semaphore, #tpu.memory_space<semaphore_mem>>)
    %dma_wait3A_240 = arith.constant 0 : i32
    %dma_wait3A_241 = arith.constant 0 : i32
    %dma_wait3A_242 = tpu.memref_slice %arg6[%dma_wait3A_240, %dma_wait3A_241] : memref<6400x256xf32, #tpu.memory_space<any>> -> memref<1600x256xf32, #tpu.memory_space<any>>
    %dma_wait3A_243 = arith.constant 0 : i32
    %dma_wait3A_244 = arith.constant 0 : i32
    %dma_wait3A_245 = tpu.memref_slice %arg7[%dma_wait3A_243, %dma_wait3A_244] : memref<6400x256xf32, #tpu.memory_space<vmem>> -> memref<1600x256xf32, #tpu.memory_space<vmem>>
    tpu.wait_dma2 semaphore(%arg8 : memref<!tpu.dma_semaphore, #tpu.memory_space<semaphore_mem>>) src(%dma_wait3A_245 : memref<1600x256xf32, #tpu.memory_space<vmem>>) dst(%dma_wait3A_242 : memref<1600x256xf32, #tpu.memory_space<any>>)
    %dma_wait3A_246 = arith.constant 1600 : i32
    %dma_wait3A_247 = arith.constant 0 : i32
    %dma_wait3A_248 = tpu.memref_slice %arg6[%dma_wait3A_246, %dma_wait3A_247] : memref<6400x256xf32, #tpu.memory_space<any>> -> memref<1600x256xf32, #tpu.memory_space<any>>
    %dma_wait3A_249 = arith.constant 1600 : i32
    %dma_wait3A_250 = arith.constant 0 : i32
    %dma_wait3A_251 = tpu.memref_slice %arg7[%dma_wait3A_249, %dma_wait3A_250] : memref<6400x256xf32, #tpu.memory_space<vmem>> -> memref<1600x256xf32, #tpu.memory_space<vmem>>
    tpu.wait_dma2 semaphore(%arg9 : memref<!tpu.dma_semaphore, #tpu.memory_space<semaphore_mem>>) src(%dma_wait3A_251 : memref<1600x256xf32, #tpu.memory_space<vmem>>) dst(%dma_wait3A_248 : memref<1600x256xf32, #tpu.memory_space<any>>)
    %dma_wait3A_252 = arith.constant 3200 : i32
    %dma_wait3A_253 = arith.constant 0 : i32
    %dma_wait3A_254 = tpu.memref_slice %arg6[%dma_wait3A_252, %dma_wait3A_253] : memref<6400x256xf32, #tpu.memory_space<any>> -> memref<1600x256xf32, #tpu.memory_space<any>>
    %dma_wait3A_255 = arith.constant 3200 : i32
    %dma_wait3A_256 = arith.constant 0 : i32
    %dma_wait3A_257 = tpu.memref_slice %arg7[%dma_wait3A_255, %dma_wait3A_256] : memref<6400x256xf32, #tpu.memory_space<vmem>> -> memref<1600x256xf32, #tpu.memory_space<vmem>>
    tpu.wait_dma2 semaphore(%arg10 : memref<!tpu.dma_semaphore, #tpu.memory_space<semaphore_mem>>) src(%dma_wait3A_257 : memref<1600x256xf32, #tpu.memory_space<vmem>>) dst(%dma_wait3A_254 : memref<1600x256xf32, #tpu.memory_space<any>>)
    %dma_wait3A_258 = arith.constant 4800 : i32
    %dma_wait3A_259 = arith.constant 0 : i32
    %dma_wait3A_260 = tpu.memref_slice %arg6[%dma_wait3A_258, %dma_wait3A_259] : memref<6400x256xf32, #tpu.memory_space<any>> -> memref<1600x256xf32, #tpu.memory_space<any>>
    %dma_wait3A_261 = arith.constant 4800 : i32
    %dma_wait3A_262 = arith.constant 0 : i32
    %dma_wait3A_263 = tpu.memref_slice %arg7[%dma_wait3A_261, %dma_wait3A_262] : memref<6400x256xf32, #tpu.memory_space<vmem>> -> memref<1600x256xf32, #tpu.memory_space<vmem>>
    tpu.wait_dma2 semaphore(%arg11 : memref<!tpu.dma_semaphore, #tpu.memory_space<semaphore_mem>>) src(%dma_wait3A_263 : memref<1600x256xf32, #tpu.memory_space<vmem>>) dst(%dma_wait3A_260 : memref<1600x256xf32, #tpu.memory_space<any>>)
    return
  }
}

</mosaic_0001>

<sc_bundles>
// kernel: kernel.4.cloned.1.call-start
scs
__scs_entry_jumppad:
0x0: {  	(pc) =	sbr.rel $0x88, $3  }
0x1: {  	(tag) =	ssettag $0x0;
	lr =	simm.s32 $0x1  }
0x2: {  	[smem:$0x3F9A] =	sst lr;
	_ =	strace $0xD0000000  }
0x3: {  	_ = 	snop  }
0x4: {  	_ = 	snop  }
0x5: {  	_ = 	snop  }
0x6: {  	_ = 	snop  }
0x7: {  	_ = 	snop  }
__scs_overlays_trampoline_lowered:
0x8: {  	[smem:$0x3FA9] =	sst s0  }
0x9: {  	[smem:$0x3FAA] =	sst s1  }
0xa: {  	[smem:$0x3FAB] =	sst s2  }
0xb: {  	[smem:$0x3FAC] =	sst s3  }
0xc: {  	[smem:$0x3FAD] =	sst s4  }
0xd: {  	[smem:$0x3FAE] =	sst s5  }
0xe: {  	[smem:$0x3FAF] =	sst s6  }
0xf: {  	[smem:$0x3FB0] =	sst s7  }
0x10: {  	[smem:$0x3FB1] =	sst s8  }
0x11: {  	[smem:$0x3FB2] =	sst s9;
	s0 =	simm.s32 @!p0 $0x0  }
0x12: {  	s1 =	sld [smem:$0x3F98];
	s0 =	simm.s32 @p0 $0x1  }
0x13: {  	[smem:$0x3FB3] =	sst s0;
	s0 =	simm.s32 @!p1 $0x0  }
0x14: {  	s2 =	sld [smem:$0x3F97];
	s0 =	simm.s32 @p1 $0x1  }
0x15: {  	[smem:$0x3FB4] =	sst s0;
	s0 =	simm.s32 @!p2 $0x0  }
0x16: {  	s3 =	sld [smem:$0x3FDB];
	s0 =	simm.s32 @p2 $0x1  }
0x17: {  	s4 =	simm.s32 $0x1BF5;
	[smem:$0x3FB6] =	sst s0  }
0x18: {  	s0 =	sld [smem:$0x3F99];
	_ =	swait.ge [sflag:s4], $0x0  }
0x19: {  	s7 =	sld [smem:$0x3F9A]  }
0x1a: {  	s8 =	sadd.s32 $0xFFFFE003, lr  }
0x1b: {  	s9 =	sadd.s32 $0xFFFFFEF7, lr;
	s5 =	simm.s32 $0xFFFFFFFF;
	p2 =	slt.u32 s8, $0xFFFFF086  }
0x1c: {  	p1 =	slt.u32 s9, $0xF7A;
	s5 =	simm.s32 @!p2 $0x0  }
0x1d: {  	s5 =	simm.s32 @p1 $0x1;
	p0 =	seq.s32 s7, s2  }
0x1e: {  	s7 =	smul.u32 @!p0 $0xF7A, s2;
	p2 =	seq.s32 @!p0 s5, $0x0  }
0x1f: {  	s9 =	smul.u32 $0xF7A, s1;
	s8 =	simm.s32 @!p0 $0x1BF5;
	p2 =	por !p2, p0  }
0x20: {  	[sflag:s8] =	ssyncset.s32 @!p0 $0xFFFFF086;
	s6 =	sadd.s32 @!p0 s3, s7;
	s7 =	simm.s32 @!p0 $0x108  }
0x21: {  	s3 =	sadd.s32 s3, s9;
	s6 =	sadd.s32 @!p0 $0x88, s6;
	s7 =	simm.s32 @p2 $0x1082  }
0x22: {  	[simem:s7], [sflag:s8] =	dma.local @!p0 [hbm:s6], $0xF7A  }
0x23: {  	s9 =	sor.u32 $0xD0000000, s2;
	s6 =	simm.s32 $0x108;
	_ =	swait.ge @!p0 [sflag:s8], $0x0  }
0x24: {  	s3 =	sadd.s32 $0x88, s3;
	s6 =	simm.s32 @!p1 $0x1082;
	[sflag:s4] =	ssyncset.s32 $0xFFFFF086  }
0x25: {  	[simem:s6], [sflag:s4] =	dma.local [hbm:s3], $0xF7A  }
0x26: {  	[smem:$0x3F9A] =	sst s1;
	(tag) =	ssettag s2;
	_ =	strace s9  }
0x27: {  	s1 =	sld [smem:$0x3FAA]  }
0x28: {  	s2 =	sld [smem:$0x3FAB]  }
0x29: {  	s4 =	sld [smem:$0x3FAD]  }
0x2a: {  	p0 =	seq.s32 s5, $0x0;
	s5 =	sld [smem:$0x3FAE]  }
0x2b: {  	s6 =	sld [smem:$0x3FAF]  }
0x2c: {  	s7 =	sld [smem:$0x3FB0]  }
0x2d: {  	s3 =	simm.s32 $0x108;
	s8 =	sld [smem:$0x3FB1]  }
0x2e: {  	s3 =	simm.s32 @!p0 $0x1082;
	s9 =	sld [smem:$0x3FB2]  }
0x2f: {  	lr =	sadd.s32 s0, s3;
	s0 =	sld [smem:$0x3FA9]  }
0x30: {  	s3 =	sld [smem:$0x3FAC]  }
0x31: {  	[smem:$0x3FB5] =	sst s10  }
0x32: {  	s10 =	sld [smem:$0x3FB3];
	_ =	sdelay $0x3  }
0x33: {  	p0 =	seq.s32 s10, $0x1;
	s10 =	sld [smem:$0x3FB5];
	_ =	sdelay $0x3  }
0x34: {  	[smem:$0x3FB5] =	sst s10  }
0x35: {  	s10 =	sld [smem:$0x3FB4];
	_ =	sdelay $0x3  }
0x36: {  	p1 =	seq.s32 s10, $0x1;
	s10 =	sld [smem:$0x3FB5];
	_ =	sdelay $0x3  }
0x37: {  	[smem:$0x3FB5] =	sst s10  }
0x38: {  	s10 =	sld [smem:$0x3FB6]  }
0x39: {  	_ = 	snop;
	(pc) =	sbr.ind lr, $3  }
0x3a: {  	_ = 	snop  }
0x3b: {  	_ = 	snop  }
0x3c: {  	p2 =	seq.s32 s10, $0x1;
	s10 =	sld [smem:$0x3FB5]  }
0x3d: {  	_ =	shalt  }
0x3e: {  	_ =	shalt  }
0x3f: {  	_ =	shalt  }
0x40: {  	_ =	shalt  }
0x41: {  	_ =	shalt  }
0x42: {  	_ =	shalt  }
0x43: {  	_ =	shalt  }
0x44: {  	_ =	shalt  }
0x45: {  	_ =	shalt  }
0x46: {  	_ =	shalt  }
0x47: {  	_ =	shalt  }
0x48: {  	_ =	shalt  }
0x49: {  	_ =	shalt  }
0x4a: {  	_ =	shalt  }
0x4b: {  	_ =	shalt  }
0x4c: {  	_ =	shalt  }
0x4d: {  	_ =	shalt  }
0x4e: {  	_ =	shalt  }
0x4f: {  	_ =	shalt  }
0x50: {  	_ =	shalt  }
0x51: {  	_ =	shalt  }
0x52: {  	_ =	shalt  }
0x53: {  	_ =	shalt  }
0x54: {  	_ =	shalt  }
0x55: {  	_ =	shalt  }
0x56: {  	_ =	shalt  }
0x57: {  	_ =	shalt  }
0x58: {  	_ =	shalt  }
0x59: {  	_ =	shalt  }
0x5a: {  	_ =	shalt  }
0x5b: {  	_ =	shalt  }
0x5c: {  	_ =	shalt  }
0x5d: {  	_ =	shalt  }
0x5e: {  	_ =	shalt  }
0x5f: {  	_ =	shalt  }
0x60: {  	_ =	shalt  }
0x61: {  	_ =	shalt  }
0x62: {  	_ =	shalt  }
0x63: {  	_ =	shalt  }
0x64: {  	_ =	shalt  }
0x65: {  	_ =	shalt  }
0x66: {  	_ =	shalt  }
0x67: {  	_ =	shalt  }
0x68: {  	_ =	shalt  }
0x69: {  	_ =	shalt  }
0x6a: {  	_ =	shalt  }
0x6b: {  	_ =	shalt  }
0x6c: {  	_ =	shalt  }
0x6d: {  	_ =	shalt  }
0x6e: {  	_ =	shalt  }
0x6f: {  	_ =	shalt  }
0x70: {  	_ =	shalt  }
0x71: {  	_ =	shalt  }
0x72: {  	_ =	shalt  }
0x73: {  	_ =	shalt  }
0x74: {  	_ =	shalt  }
0x75: {  	_ =	shalt  }
0x76: {  	_ =	shalt  }
0x77: {  	_ =	shalt  }
0x78: {  	_ =	shalt  }
0x79: {  	_ =	shalt  }
0x7a: {  	_ =	shalt  }
0x7b: {  	_ =	shalt  }
0x7c: {  	_ =	shalt  }
0x7d: {  	_ =	shalt  }
0x7e: {  	_ =	shalt  }
0x7f: {  	_ =	shalt  }
0x80: {  	_ =	shalt  }
0x81: {  	_ =	shalt  }
0x82: {  	_ =	shalt  }
0x83: {  	_ =	shalt  }
0x84: {  	_ =	shalt  }
0x85: {  	_ =	shalt  }
0x86: {  	_ =	shalt  }
0x87: {  	_ =	shalt  }
.Lfunc_end0:
.L_simem_size_0:
called_computation_lowered:
.L_overlay_start_0:
0x88: {  	s2 =	sld [smem:$0x3FD9]  }
0x89: {  	s3 =	sld [smem:$0x3FFE];
	_ =	sdelay $0x1  }
0x8a: {  	s1 =	srdreg.scid  }
0x8b: {  	s0 =	sand.u32 $0x1, s1  }
0x8c: {  	s17 =	sshll.u32 s0, $0xA;
	s2 =	sadd.s32 s3, s2  }
0x8d: {  	s2 =	sadd.s32 s2, s17  }
0x8e: {  	[smem:$0x3FC1] =	sst s2  }
0x8f: {  	_ = 	snop  }
0x90: {  	s2 =	sld [smem:$0x3FC7]  }
0x91: {  	s18 =	sld [smem:$0x3FD0];
	(tm) =	ssettm $0x1  }
0x92: {  	s4 =	sld [smem:$0x3FFB];
	_ =	sdelay $0x3  }
0x93: {  	_ =	strace s4  }
0x94: {  	s4 =	sld [smem:$0x3FFC];
	_ =	sdelay $0x3  }
0x95: {  	_ =	strace s4  }
0x96: {  	s4 =	sld [smem:$0x3FFD];
	_ =	sdelay $0x3  }
0x97: {  	_ =	strace s4  }
0x98: {  	_ =	strace $0x8FFFFFFF  }
0x99: {  	s19 =	sld [smem:$0x3FDB];
	_ =	sdelay $0x1  }
0x9a: {  	s5 =	simm.s32 $_scs_section_size  }
0x9b: {  	s6 =	simm.s32 $_size__tile_overlayer_lowered;
	s7 =	simm.s32 $_tile_overlayer_lowered  }
0x9c: {  	s22 =	simm.s32 $0x1BFF;
	s21 =	sshll.u32 s7, $0x1;
	s4 =	sadd.s32 s5, s19  }
0x9d: {  	s8 =	simm.s32 $0x0;
	s20 =	sshll.u32 s6, $0x1;
	s6 =	sadd.s32 s21, s4  }
0x9e: {  	[timem:s8], [sflag:s22] =	dma.local [hbm:s6], s20  }
0x9f: {  	_ =	swait.ge [sflag:s22], s20  }
0xa0: {  	s5 =	ssub.s32 $0x0, s20;
	[sflag:s22] =	ssyncset.done $0x0  }
0xa1: {  	[sflag:s22] =	ssyncadd.s32 s5;
	_ =	sdelay $0x1  }
0xa2: {  	s23 =	simm.s32 $0x1B8B  }
0xa3: {  	_ =	swait.ge [sflag:s23], $0x1  }
0xa4: {  	[sflag:s23] =	ssyncset.done $0x0  }
0xa5: {  	s25 =	simm.s32 $0x1B8E;
	s24 =	sld [smem:$0x3FFE];
	[sflag:s23] =	ssyncadd.s32 $0xFFFFFFFF  }
0xa6: {  	s26 =	simm.s32 $execute0_lowered;
	[smem:$0x3FD2] =	sst s25  }
0xa7: {  	s6 =	sshll.u32 s26, $0x1;
	_ =	strace $0x80000046;
	[dreg:$0x1] =	wrdreg $0xFFFFFFFF  }
0xa8: {  	s28 =	simm.s32 $_size_execute0_lowered;
	s4 =	sadd.s32 s4, s6;
	[dreg:$0x0] =	wrdreg $0x0  }
0xa9: {  	s6 =	sshll.u32 s28, $0x1;
	[dreg:$0x2] =	wrdreg s4  }
0xaa: {  	[dreg:$0x3] =	wrdreg s6  }
0xab: {  	[dreg:$0x4] =	wrdreg $0xC0  }
0xac: {  	_ =	task [dreg:s8], $0x5FFFF  }
0xad: {  	[dreg:$0x1] =	wrdreg $0xFFFFFFFF  }
0xae: {  	[dreg:$0x0] =	wrdreg $0x60  }
0xaf: {  	[dreg:$0x2] =	wrdreg s24  }
0xb0: {  	[dreg:$0x3] =	wrdreg s2  }
0xb1: {  	[dreg:$0x4] =	wrdreg s18  }
0xb2: {  	[dreg:$0x5] =	wrdreg $0x9  }
0xb3: {  	_ =	task.clear_ibuf [dreg:s8], $0x6FFFF;
	_ =	strace $0x90000046  }
0xb4: {  	s29 =	simm.s32 $0x9;
	_ =	strace $0x80000048  }
0xb5: {  	_ =	swait.ge [sflag:s29], $0x1  }
0xb6: {  	[sflag:s29] =	ssyncadd.s32 $0xFFFFFFFF  }
0xb7: {  	_ =	strace $0x90000048  }
0xb8: {  	_ =	sfence  }
0xb9: {  	s30 =	sld [smem:$0x0];
	_ =	sdelay $0x2  }
0xba: {  	s31 =	sshll.u32 s1, $0xD;
	s1 =	sshrl.u32 s1, $0x2  }
0xbb: {  	s3 =	sand.u32 $0x4000, s31;
	s1 =	sadd.s32 s1, s30  }
0xbc: {  	s0 =	sor.u32 s3, s0;
	s1 =	sshll.u32 s1, $0x11  }
0xbd: {  	s0 =	sor.u32 s1, s0  }
0xbe: {  	s0 =	sadd.s32 $0x8F2B, s0  }
0xbf: {  	[sflag:s0] =	ssyncadd.remote.s32 $0x1  }
0xc0: {  	_ =	sfence.sel $0xFFFF  }
0xc1: {  	[dreg:$0x0] =	wrdreg $0xFFFFFFFF;
	(pc) =	sbr.abs _section_cstart, $3  }
0xc2: {  	[dreg:$0x1] =	wrdreg $0xFFFFFFFF  }
0xc3: {  	_ =	task.clear_ibuf [dreg:s8], $0x2FFFF;
	_ =	strace $0x9FFFFFFF  }
0xc4: {  	(tm) =	ssettm $0x7FFFFFFF  }
0xc5: {  	_ =	shalt  }
tec
execute0_lowered:
.L_overlay_start_1:
0x0: {  	(tag) =	ssettag $0x1  }
0x1: {  	s1 =	rddreg [dreg:$0x0]  }
0x2: {  	s3 =	srdreg.scid;
	s2 =	rddreg [dreg:$0x1]  }
0x3: {  	s0 =	stileid.u32;
	s5 =	rddreg [dreg:$0x2]  }
0x4: {  	s26 =	simm.s32 $0x900;
	s9 =	simm.s32 $0x2100;
	s10 =	simm.s32 $0x2900  }
0x5: {  	s11 =	simm.s32 $0x3100;
	s12 =	simm.s32 $0x3900;
	s13 =	simm.s32 $0x4100  }
0x6: {  	s14 =	simm.s32 $0x4900;
	s15 =	simm.s32 $0x5100;
	s16 =	simm.s32 $0x5900  }
0x7: {  	s17 =	simm.s32 $0x6100;
	s18 =	simm.s32 $0x6900;
	s19 =	simm.s32 $0x7100  }
0x8: {  	s20 =	simm.s32 $0x7900;
	s28 =	simm.s32 $0xB100;
	s29 =	simm.s32 $0xB900  }
0x9: {  	s30 =	simm.s32 $0xC100;
	s4 =	sand.u32 $0x1, s3;
	s21 =	sshll.u32 s0, $0x1  }
0xa: {  	s31 =	simm.s32 $0x1;
	s3 =	simm.s32 $0x0;
	s6 =	sor.u32 s4, s21  }
0xb: {  	[smem:$0x7FF] =	sst s3;
	s4 =	ssub.s32 $0x2, s4;
	s7 =	smul.u32 $0x19, s6  }
0xc: {  	s21 =	simm.s32 $0x8100;
	s8 =	smul.u32 $0xC800, s6;
	_ =	strace $0x80000047  }
0xd: {  	s6 =	smul.u32 $0x1900, s6;
	s24 =	sshrl.u32 s4, $0x1;
	[dreg:$0x7] =	wrdreg s26  }
0xe: {  	s26 =	simm.s32 $0xA900;
	s4 =	ssub.s32 s4, s24;
	s24 =	simm.s32 $0x9900  }
0xf: {  	s1 =	sadd.s32 s7, s1;
	s22 =	sshrl.u32 s8, $0x3;
	s23 =	sadd.s32 s5, s6  }
0x10: {  	s4 =	smax.u32 s4, $0x1;
	s6 =	simm.s32 $0x100;
	s7 =	simm.s32 $0x1100  }
0x11: {  	s8 =	simm.s32 $0x1900;
	s1 =	sadd.s32 $0x1000, s1;
	s5 =	sadd.s32 s5, s22  }
0x12: {  	v2 =	vlaneseq.u32;
	[dreg:$0x5] =	wrdreg s23;
	s22 =	simm.s32 $0x8900;
	s23 =	simm.s32 $0x9100  }
0x13: {  	vm0 =	vmmov $0xffff;
	v1 =	vshrl.u32 v2, $0x3;
	[dreg:$0x4] =	wrdreg s1;
	s25 =	sadd.s32 $0x1000, s5;
	s5 =	simm.s32 $0x3  }
0x14: {  	v0 =	vand.u32 $0x7, v2;
	v2 =	vor.u32 $0x8, v2;
	v1 =	vmul.u32 $0x8, v1;
	s1 =	simm.s32 $0x2;
	[dreg:$0x6] =	wrdreg s25;
	s25 =	simm.s32 $0xA100  }
.LBB2_1:
0x15: {  	s0 =	rddreg [dreg:$0x4]  }
0x16: {  	[tilespmem:s3], [sflag:$0x3] =	stream.linear.gather [hbm4b:s0+s3], $0xC8, $0x38;
	[tilespmem:$0xC900] =	vst v63  }
0x17: {  	_ =	swait.ge [sflag:s5], $0xC8  }
0x18: {  	[sflag:s5] =	ssyncset.done $0x0  }
0x19: {  	[sflag:s5] =	ssyncadd.s32 $0xFFFFFF38  }
0x1a: {  	v3 =	vld [tilespmem:$0x0]  }
0x1b: {  	v4 =	vld [tilespmem:$0x10]  }
0x1c: {  	v5 =	vld [tilespmem:$0x20]  }
0x1d: {  	v6 =	vld [tilespmem:$0x30];
	_ =	sdelay $0x1  }
0x1e: {  	v7 =	vld [tilespmem:$0x40]  }
0x1f: {  	v8 =	vld [tilespmem:$0x50];
	vm1 =	vgt.s32 v3, $0x0  }
0x20: {  	v9 =	vld [tilespmem:$0x60];
	vm2 =	vgt.s32 v5, $0x0;
	v3 =	vnsel vm1, $0x0, v3;
	vm1 =	vgt.s32 v4, $0x0  }
0x21: {  	v5 =	vnsel vm2, $0x0, v5;
	v4 =	vnsel vm1, $0x0, v4;
	vm1 =	vgt.s32 v6, $0x0  }
0x22: {  	v10 =	vld [tilespmem:$0x70];
	v3 =	vmin.u32 v3, $0x19B03;
	v5 =	vmin.u32 v5, $0x19B03;
	v6 =	vnsel vm1, $0x0, v6  }
0x23: {  	v11 =	vld [tilespmem:$0x80];
	vm1 =	vgt.s32 v7, $0x0;
	v4 =	vmin.u32 v4, $0x19B03;
	v40 =	vshll.u32 v3, $0x1  }
0x24: {  	v12 =	vld [tilespmem:$0x90];
	[tilespmem:$0x0] =	vst v3;
	v3 =	vand.u32 $0x7, v3;
	v7 =	vnsel vm1, $0x0, v7;
	vm1 =	vgt.s32 v8, $0x0  }
0x25: {  	v38 =	vld [tilespmem:$0xA0];
	[tilespmem:$0x20] =	vst v5;
	v35 =	vmin.u32 v6, $0x19B03;
	v8 =	vnsel vm1, $0x0, v8;
	vm1 =	vgt.s32 v9, $0x0  }
0x26: {  	[tilespmem:$0x10] =	vst v4;
	v36 =	vmin.u32 v7, $0x19B03;
	v37 =	vnsel vm1, $0x0, v9;
	v39 =	vmin.u32 v8, $0x19B03  }
0x27: {  	v41 =	vld [tilespmem:$0xB0];
	[tilespmem:$0x30] =	vst v35;
	vm1 =	vgt.s32 v10, $0x0;
	v8 =	vand.u32 $0x3FFF0, v40;
	v7 =	vmin.u32 v37, $0x19B03  }
0x28: {  	v43 =	vld [tilespmem:$0xC0];
	[tilespmem:$0x40] =	vst v36;
	v42 =	vnsel vm1, $0x0, v10;
	vm1 =	vgt.s32 v11, $0x0;
	v3 =	vor.u32 v3, v8  }
0x29: {  	[tilespmem:$0x50] =	vst v39;
	v44 =	vmin.u32 v42, $0x19B03;
	v45 =	vnsel vm1, $0x0, v11;
	vm1 =	vgt.s32 v12, $0x0  }
0x2a: {  	[tilespmem:$0x60] =	vst v7;
	v47 =	vperm.xlane v3, v0;
	v46 =	vnsel vm1, $0x0, v12;
	vm1 =	vgt.s32 v38, $0x0  }
0x2b: {  	v3 =	vperm.xlane v3, v2;
	[tilespmem:$0x70] =	vst v44;
	v6 =	vmin.u32 v45, $0x19B03;
	v48 =	vnsel vm1, $0x0, v38  }
0x2c: {  	v7 =	vmin.u32 v46, $0x19B03;
	[tilespmem:$0x80] =	vst v6;
	vm1 =	vgt.s32 v41, $0x0;
	v49 =	vadd.s32 v1, v47  }
0x2d: {  	[tilespmem:$0x90] =	vst v7;
	v5 =	vmin.u32 v48, $0x19B03;
	v4 =	vnsel vm1, $0x0, v41;
	vm1 =	vgt.s32 v43, $0x0  }
0x2e: {  	v3 =	vadd.s32 v1, v3;
	[tilespmem:$0xA0] =	vst v5;
	v50 =	vnsel vm1, $0x0, v43;
	v4 =	vmin.u32 v4, $0x19B03  }
0x2f: {  	[tilespmem:$0xB0] =	vst v4;
	v51 =	vmin.u32 v50, $0x19B03  }
0x30: {  	[tilespmem:$0xC0] =	vst v51  }
0x31: {  	[tilespmem:s6], [sflag:$0x1] =	stream.indirect_vreg.gather [hbm4b:s2+s3], $0x80, v49, vm0, $0xb8;
	[tilespmem:$0xC900] =	vst v63  }
0x32: {  	s0 =	rddreg [dreg:$0x7]  }
0x33: {  	[tilespmem:s0], [sflag:$0x1] =	stream.indirect_vreg.gather [hbm4b:s2+s3], $0x80, v3, vm0, $0xb8;
	[tilespmem:$0xC900] =	vst v63  }
0x34: {  	v3 =	vld [tilespmem:$0x10];
	_ =	sdelay $0x4  }
0x35: {  	v52 =	vshll.u32 v3, $0x1  }
0x36: {  	v3 =	vand.u32 $0x7, v3;
	v4 =	vand.u32 $0xFFFFFFF0, v52  }
0x37: {  	v3 =	vor.u32 v3, v4  }
0x38: {  	v4 =	vperm.xlane v3, v0;
	_ =	sdelay $0x1  }
0x39: {  	v3 =	vperm.xlane v3, v2;
	v4 =	vadd.s32 v1, v4;
	_ =	sdelay $0x1  }
0x3a: {  	v3 =	vadd.s32 v1, v3;
	_ =	sdelay $0x2  }
0x3b: {  	[tilespmem:s7], [sflag:$0x1] =	stream.indirect_vreg.gather [hbm4b:s2+s3], $0x80, v4, vm0, $0xb8;
	[tilespmem:$0xC900] =	vst v63  }
0x3c: {  	_ = 	snop  }
0x3d: {  	[tilespmem:s8], [sflag:$0x1] =	stream.indirect_vreg.gather [hbm4b:s2+s3], $0x80, v3, vm0, $0xb8;
	[tilespmem:$0xC900] =	vst v63  }
0x3e: {  	v3 =	vld [tilespmem:$0x20];
	_ =	sdelay $0x4  }
0x3f: {  	v53 =	vshll.u32 v3, $0x1  }
0x40: {  	v3 =	vand.u32 $0x7, v3;
	v4 =	vand.u32 $0xFFFFFFF0, v53  }
0x41: {  	v3 =	vor.u32 v3, v4  }
0x42: {  	v4 =	vperm.xlane v3, v0;
	_ =	sdelay $0x1  }
0x43: {  	v3 =	vperm.xlane v3, v2;
	v4 =	vadd.s32 v1, v4;
	_ =	sdelay $0x1  }
0x44: {  	v3 =	vadd.s32 v1, v3;
	_ =	sdelay $0x2  }
0x45: {  	[tilespmem:s9], [sflag:$0x1] =	stream.indirect_vreg.gather [hbm4b:s2+s3], $0x80, v4, vm0, $0xb8;
	[tilespmem:$0xC900] =	vst v63  }
0x46: {  	_ = 	snop  }
0x47: {  	[tilespmem:s10], [sflag:$0x1] =	stream.indirect_vreg.gather [hbm4b:s2+s3], $0x80, v3, vm0, $0xb8;
	[tilespmem:$0xC900] =	vst v63  }
0x48: {  	v3 =	vld [tilespmem:$0x30];
	_ =	sdelay $0x4  }
0x49: {  	v54 =	vshll.u32 v3, $0x1  }
0x4a: {  	v3 =	vand.u32 $0x7, v3;
	v4 =	vand.u32 $0xFFFFFFF0, v54  }
0x4b: {  	v3 =	vor.u32 v3, v4  }
0x4c: {  	v4 =	vperm.xlane v3, v0;
	_ =	sdelay $0x1  }
0x4d: {  	v3 =	vperm.xlane v3, v2;
	v4 =	vadd.s32 v1, v4;
	_ =	sdelay $0x1  }
0x4e: {  	v3 =	vadd.s32 v1, v3;
	_ =	sdelay $0x2  }
0x4f: {  	[tilespmem:s11], [sflag:$0x1] =	stream.indirect_vreg.gather [hbm4b:s2+s3], $0x80, v4, vm0, $0xb8;
	[tilespmem:$0xC900] =	vst v63  }
0x50: {  	_ = 	snop  }
0x51: {  	[tilespmem:s12], [sflag:$0x1] =	stream.indirect_vreg.gather [hbm4b:s2+s3], $0x80, v3, vm0, $0xb8;
	[tilespmem:$0xC900] =	vst v63  }
0x52: {  	v3 =	vld [tilespmem:$0x40];
	_ =	sdelay $0x4  }
0x53: {  	v55 =	vshll.u32 v3, $0x1  }
0x54: {  	v3 =	vand.u32 $0x7, v3;
	v4 =	vand.u32 $0xFFFFFFF0, v55  }
0x55: {  	v3 =	vor.u32 v3, v4  }
0x56: {  	v4 =	vperm.xlane v3, v0;
	_ =	sdelay $0x1  }
0x57: {  	v3 =	vperm.xlane v3, v2;
	v4 =	vadd.s32 v1, v4;
	_ =	sdelay $0x1  }
0x58: {  	v3 =	vadd.s32 v1, v3;
	_ =	sdelay $0x2  }
0x59: {  	[tilespmem:s13], [sflag:$0x1] =	stream.indirect_vreg.gather [hbm4b:s2+s3], $0x80, v4, vm0, $0xb8;
	[tilespmem:$0xC900] =	vst v63  }
0x5a: {  	_ = 	snop  }
0x5b: {  	[tilespmem:s14], [sflag:$0x1] =	stream.indirect_vreg.gather [hbm4b:s2+s3], $0x80, v3, vm0, $0xb8;
	[tilespmem:$0xC900] =	vst v63  }
0x5c: {  	v3 =	vld [tilespmem:$0x50];
	_ =	sdelay $0x4  }
0x5d: {  	v56 =	vshll.u32 v3, $0x1  }
0x5e: {  	v3 =	vand.u32 $0x7, v3;
	v4 =	vand.u32 $0xFFFFFFF0, v56  }
0x5f: {  	v3 =	vor.u32 v3, v4  }
0x60: {  	v4 =	vperm.xlane v3, v0;
	_ =	sdelay $0x1  }
0x61: {  	v3 =	vperm.xlane v3, v2;
	v4 =	vadd.s32 v1, v4;
	_ =	sdelay $0x1  }
0x62: {  	v3 =	vadd.s32 v1, v3;
	_ =	sdelay $0x2  }
0x63: {  	[tilespmem:s15], [sflag:$0x1] =	stream.indirect_vreg.gather [hbm4b:s2+s3], $0x80, v4, vm0, $0xb8;
	[tilespmem:$0xC900] =	vst v63  }
0x64: {  	_ = 	snop  }
0x65: {  	[tilespmem:s16], [sflag:$0x1] =	stream.indirect_vreg.gather [hbm4b:s2+s3], $0x80, v3, vm0, $0xb8;
	[tilespmem:$0xC900] =	vst v63  }
0x66: {  	v3 =	vld [tilespmem:$0x60];
	_ =	sdelay $0x4  }
0x67: {  	v57 =	vshll.u32 v3, $0x1  }
0x68: {  	v3 =	vand.u32 $0x7, v3;
	v4 =	vand.u32 $0xFFFFFFF0, v57  }
0x69: {  	v3 =	vor.u32 v3, v4  }
0x6a: {  	v4 =	vperm.xlane v3, v0;
	_ =	sdelay $0x1  }
0x6b: {  	v3 =	vperm.xlane v3, v2;
	v4 =	vadd.s32 v1, v4;
	_ =	sdelay $0x1  }
0x6c: {  	v3 =	vadd.s32 v1, v3;
	_ =	sdelay $0x2  }
0x6d: {  	[tilespmem:s17], [sflag:$0x1] =	stream.indirect_vreg.gather [hbm4b:s2+s3], $0x80, v4, vm0, $0xb8;
	[tilespmem:$0xC900] =	vst v63  }
0x6e: {  	_ = 	snop  }
0x6f: {  	[tilespmem:s18], [sflag:$0x1] =	stream.indirect_vreg.gather [hbm4b:s2+s3], $0x80, v3, vm0, $0xb8;
	[tilespmem:$0xC900] =	vst v63  }
0x70: {  	v3 =	vld [tilespmem:$0x70];
	_ =	sdelay $0x4  }
0x71: {  	v58 =	vshll.u32 v3, $0x1  }
0x72: {  	v3 =	vand.u32 $0x7, v3;
	v4 =	vand.u32 $0xFFFFFFF0, v58  }
0x73: {  	v3 =	vor.u32 v3, v4  }
0x74: {  	v4 =	vperm.xlane v3, v0;
	_ =	sdelay $0x1  }
0x75: {  	v3 =	vperm.xlane v3, v2;
	v4 =	vadd.s32 v1, v4;
	_ =	sdelay $0x1  }
0x76: {  	v3 =	vadd.s32 v1, v3;
	_ =	sdelay $0x2  }
0x77: {  	[tilespmem:s19], [sflag:$0x1] =	stream.indirect_vreg.gather [hbm4b:s2+s3], $0x80, v4, vm0, $0xb8;
	[tilespmem:$0xC900] =	vst v63  }
0x78: {  	_ = 	snop  }
0x79: {  	[tilespmem:s20], [sflag:$0x1] =	stream.indirect_vreg.gather [hbm4b:s2+s3], $0x80, v3, vm0, $0xb8;
	[tilespmem:$0xC900] =	vst v63  }
0x7a: {  	v3 =	vld [tilespmem:$0x80];
	_ =	sdelay $0x4  }
0x7b: {  	v59 =	vshll.u32 v3, $0x1  }
0x7c: {  	v3 =	vand.u32 $0x7, v3;
	v4 =	vand.u32 $0xFFFFFFF0, v59  }
0x7d: {  	v3 =	vor.u32 v3, v4  }
0x7e: {  	v4 =	vperm.xlane v3, v0;
	_ =	sdelay $0x1  }
0x7f: {  	v3 =	vperm.xlane v3, v2;
	v4 =	vadd.s32 v1, v4;
	_ =	sdelay $0x1  }
0x80: {  	v3 =	vadd.s32 v1, v3;
	_ =	sdelay $0x2  }
0x81: {  	[tilespmem:s21], [sflag:$0x1] =	stream.indirect_vreg.gather [hbm4b:s2+s3], $0x80, v4, vm0, $0xb8;
	[tilespmem:$0xC900] =	vst v63  }
0x82: {  	_ = 	snop  }
0x83: {  	[tilespmem:s22], [sflag:$0x1] =	stream.indirect_vreg.gather [hbm4b:s2+s3], $0x80, v3, vm0, $0xb8;
	[tilespmem:$0xC900] =	vst v63  }
0x84: {  	v3 =	vld [tilespmem:$0x90];
	_ =	sdelay $0x4  }
0x85: {  	v60 =	vshll.u32 v3, $0x1  }
0x86: {  	v3 =	vand.u32 $0x7, v3;
	v4 =	vand.u32 $0xFFFFFFF0, v60  }
0x87: {  	v3 =	vor.u32 v3, v4  }
0x88: {  	v4 =	vperm.xlane v3, v0;
	_ =	sdelay $0x1  }
0x89: {  	v3 =	vperm.xlane v3, v2;
	v4 =	vadd.s32 v1, v4;
	_ =	sdelay $0x1  }
0x8a: {  	v3 =	vadd.s32 v1, v3;
	_ =	sdelay $0x2  }
0x8b: {  	[tilespmem:s23], [sflag:$0x1] =	stream.indirect_vreg.gather [hbm4b:s2+s3], $0x80, v4, vm0, $0xb8;
	[tilespmem:$0xC900] =	vst v63  }
0x8c: {  	_ = 	snop  }
0x8d: {  	[tilespmem:s24], [sflag:$0x1] =	stream.indirect_vreg.gather [hbm4b:s2+s3], $0x80, v3, vm0, $0xb8;
	[tilespmem:$0xC900] =	vst v63  }
0x8e: {  	v3 =	vld [tilespmem:$0xA0];
	_ =	sdelay $0x4  }
0x8f: {  	v61 =	vshll.u32 v3, $0x1  }
0x90: {  	v3 =	vand.u32 $0x7, v3;
	v4 =	vand.u32 $0xFFFFFFF0, v61  }
0x91: {  	v3 =	vor.u32 v3, v4  }
0x92: {  	v4 =	vperm.xlane v3, v0;
	_ =	sdelay $0x1  }
0x93: {  	v3 =	vperm.xlane v3, v2;
	v4 =	vadd.s32 v1, v4;
	_ =	sdelay $0x1  }
0x94: {  	v3 =	vadd.s32 v1, v3;
	_ =	sdelay $0x2  }
0x95: {  	[tilespmem:s25], [sflag:$0x1] =	stream.indirect_vreg.gather [hbm4b:s2+s3], $0x80, v4, vm0, $0xb8;
	[tilespmem:$0xC900] =	vst v63  }
0x96: {  	_ = 	snop  }
0x97: {  	[tilespmem:s26], [sflag:$0x1] =	stream.indirect_vreg.gather [hbm4b:s2+s3], $0x80, v3, vm0, $0xb8;
	[tilespmem:$0xC900] =	vst v63  }
0x98: {  	v3 =	vld [tilespmem:$0xB0];
	_ =	sdelay $0x4  }
0x99: {  	v62 =	vshll.u32 v3, $0x1  }
0x9a: {  	v3 =	vand.u32 $0x7, v3;
	v4 =	vand.u32 $0xFFFFFFF0, v62  }
0x9b: {  	v3 =	vor.u32 v3, v4  }
0x9c: {  	v4 =	vperm.xlane v3, v0;
	_ =	sdelay $0x1  }
0x9d: {  	v3 =	vperm.xlane v3, v2;
	v4 =	vadd.s32 v1, v4;
	_ =	sdelay $0x1  }
0x9e: {  	v3 =	vadd.s32 v1, v3;
	_ =	sdelay $0x2  }
0x9f: {  	[tilespmem:s28], [sflag:$0x1] =	stream.indirect_vreg.gather [hbm4b:s2+s3], $0x80, v4, vm0, $0xb8;
	[tilespmem:$0xC900] =	vst v63  }
0xa0: {  	_ = 	snop  }
0xa1: {  	[tilespmem:s29], [sflag:$0x1] =	stream.indirect_vreg.gather [hbm4b:s2+s3], $0x80, v3, vm0, $0xb8;
	[tilespmem:$0xC900] =	vst v63  }
0xa2: {  	v3 =	vld.msk [tilespmem:$0xC0], $0xff;
	_ =	sdelay $0x4  }
0xa3: {  	v63 =	vshll.u32 v3, $0x1  }
0xa4: {  	v3 =	vand.u32 $0x7, v3;
	v4 =	vand.u32 $0xFFFFFFF0, v63  }
0xa5: {  	v3 =	vor.u32 v3, v4  }
0xa6: {  	v3 =	vperm.xlane v3, v0;
	_ =	sdelay $0x1  }
0xa7: {  	v3 =	vadd.s32 v1, v3;
	_ =	sdelay $0x4  }
0xa8: {  	[tilespmem:s30], [sflag:$0x1] =	stream.indirect_vreg.gather [hbm4b:s2+s3], $0x80, v3, vm0, $0xb8;
	[tilespmem:$0xC900] =	vst v63  }
0xa9: {  	_ =	swait.ge [sflag:s31], $0x8000  }
0xaa: {  	[sflag:s31] =	ssyncset.done $0x0  }
0xab: {  	s0 =	rddreg [dreg:$0x5];
	[sflag:s31] =	ssyncadd.s32 $0xFFFF8000  }
0xac: {  	[hbm4b:s0+s3] =	stream.linear.scatter [tilespmem:s6], [sflag:$0x2], $0x8000, $0x38;
	[tilespmem:$0xC900] =	vst v63  }
0xad: {  	_ =	swait.ge [sflag:s31], $0x4800  }
0xae: {  	[sflag:s31] =	ssyncset.done $0x0  }
0xaf: {  	s0 =	rddreg [dreg:$0x6];
	[sflag:s31] =	ssyncadd.s32 $0xFFFFB800  }
0xb0: {  	[hbm4b:s0+s3] =	stream.linear.scatter [tilespmem:s21], [sflag:$0x2], $0x4800, $0x38;
	[tilespmem:$0xC900] =	vst v63  }
0xb1: {  	p0 =	sne.s32 s4, $0x1;
	_ =	swait.ge [sflag:s1], $0x8000  }
.Ltmp0:
0xb2: {  	[sflag:s1] =	ssyncset.done $0x0;
	(pc) =	sbr.rel @p0 .LBB2_1-.Ltmp0, $4  }
0xb3: {  	[sflag:s1] =	ssyncadd.s32 $0xFFFF8000  }
0xb4: {  	_ =	swait.ge [sflag:s1], $0x4800  }
0xb5: {  	[sflag:s1] =	ssyncset.done $0x0  }
0xb6: {  	s4 =	sadd.s32 $0xFFFFFFFF, s4;
	[sflag:s1] =	ssyncadd.s32 $0xFFFFB800  }
0xb7: {  	_ =	sfence.sel $0x180000  }
0xb8: {  	[bflag:$0x0] =	sbarrier.arrive $0xFFFF  }
0xb9: {  	_ =	strace $0x90000047  }
0xba: {  	s0 =	stileid.u32;
	[bflag:$0x2] =	sbarrier.arrive $0xFFFF  }
0xbb: {  	p0 =	sne.s32 s0, $0x0;
	s0 =	rddreg [dreg:$0x3]  }
0xbc: {  	s0 =	sadd.s32 @!p0 $0x100000, s0  }
0xbd: {  	[sflag:s0] =	ssyncadd.tile.s32 @!p0 $0x1;
	_ =	shalt  }
.Lfunc_end2:
_tile_overlayer_lowered:
.L_overlay_start_2:
0xbe: {  	(tag) =	ssettag $0x2  }
0xbf: {  	s0 =	rddreg [dreg:$0x0];
	s2 =	stileid.u32  }
0xc0: {  	s1 =	rddreg [dreg:$0x1];
	p0 =	sne.s32 s2, $0x0  }
0xc1: {  	s3 =	rddreg [dreg:$0x2];
	[bflag:$0x3] =	sbarrier.arrive $0xFFFF;
	s2 =	simm.s32 @!p0 $0x1C03  }
0xc2: {  	[timem:s3], [sflag:s2] =	dma.local @!p0 [hbm:s0], s1  }
0xc3: {  	s0 =	simm.s32 @!p0 $0x3  }
0xc4: {  	_ =	swait.ge @!p0 [sflag:s0], s1  }
0xc5: {  	s1 =	ssub.s32 @!p0 $0x0, s1;
	[sflag:s0] =	ssyncset.done @!p0 $0x0  }
0xc6: {  	[sflag:s0] =	ssyncadd.s32 @!p0 s1  }
0xc7: {  	[bflag:$0x3] =	sbarrier.arrive $0xFFFF  }
0xc8: {  	_ =	shalt  }

</sc_bundles>
